<compile_context>
chip_gen: v7x
topology: tpu7x:2x2x1
jax: 0.10.2.dev20260603
libtpu: 0.0.44.dev20260713+nightly
codegen_flags: <defaults>
</compile_context>

<pallas_src>
import functools

import jax
import jax.numpy as jnp
from jax import lax
from jax.experimental import pallas as pl
from jax.experimental.pallas import tpu as pltpu
from jax.experimental.pallas import tpu_sc as plsc

_N = 10000
_D = 128
_E = 320000
_NSC = 2
_NTILE = 16
_C = 80
_NCH = 125
_WR_TILES = 10
_ROWS_OUT = _N // _WR_TILES


def _sc_segment_sum(h, src2d, dst2d, zeros):
    mesh = plsc.VectorSubcoreMesh(
        core_axis_name="c", subcore_axis_name="s",
        num_cores=_NSC, num_subcores=_NTILE)

    @functools.partial(
        pl.kernel,
        out_type=jax.ShapeDtypeStruct((_NSC * _N, _D), jnp.float32),
        mesh=mesh,
        scratch_types=[
            pltpu.VMEM((1, _NCH, _C), jnp.int32),
            pltpu.VMEM((1, _NCH, _C), jnp.int32),
            pltpu.VMEM((_C, _D // 2), jnp.int32),
            pltpu.VMEM((_C, _D // 2), jnp.int32),
            pltpu.VMEM((_C, _D), jnp.float32),
            pltpu.VMEM((_C, _D), jnp.float32),
            pltpu.VMEM_SHARED((_N, _D), jnp.float32),
            pltpu.SemaphoreType.DMA,
            pltpu.SemaphoreType.DMA,
            pltpu.SemaphoreType.DMA,
            pltpu.SemaphoreType.DMA,
        ],
        compiler_params=pltpu.CompilerParams(use_tc_tiling_on_sc=False,
                                             needs_layout_passes=False),
    )
    def run(h_hbm, src_hbm, dst_hbm, z_hbm, out_hbm,
            src_v, dst_v, rows0, rows1, conv0, conv1, acc,
            semg0, semg1, sems0, sems1):
        cid = lax.axis_index("c")
        sid = lax.axis_index("s")

        @pl.when(sid == 0)
        def _zero():
            pltpu.sync_copy(z_hbm, acc)

        tid = cid * _NTILE + sid
        pltpu.sync_copy(src_hbm.at[pl.ds(tid, 1)], src_v)
        pltpu.sync_copy(dst_hbm.at[pl.ds(tid, 1)], dst_v)
        plsc.subcore_barrier()

        rows = (rows0, rows1)
        convs = (conv0, conv1)
        semg = (semg0, semg1)
        sems = (sems0, sems1)

        pltpu.async_copy(h_hbm.at[src_v.at[0, 0]], rows0, semg0)
        pltpu.async_copy(h_hbm.at[src_v.at[0, 1]], rows1, semg1)

        def step(j, b):
            pltpu.make_async_copy(h_hbm.at[src_v.at[0, j]],
                                  rows[b], semg[b]).wait()

            @pl.when(j >= 2)
            def _drain():
                pltpu.make_async_copy(convs[b], acc.at[dst_v.at[0, 0]],
                                      sems[b]).wait()

            def crow(r, c):
                buf = rows[b]
                for g in range(4):
                    w = buf[r, pl.ds(16 * g, 16)]
                    convs[b][r, pl.ds(32 * g, 16)] = plsc.bitcast(
                        w << 16, jnp.float32)
                    convs[b][r, pl.ds(32 * g + 16, 16)] = plsc.bitcast(
                        w & jnp.int32(-65536), jnp.float32)
                return c

            lax.fori_loop(0, _C, crow, 0)
            pltpu.async_copy(convs[b], acc.at[dst_v.at[0, j]], sems[b],
                             add=True)

            @pl.when(j + 2 < _NCH)
            def _next():
                pltpu.async_copy(h_hbm.at[src_v.at[0, j + 2]],
                                 rows[b], semg[b])

        def dbl(i, c):
            step(i * 2, 0)
            step(i * 2 + 1, 1)
            return c

        lax.fori_loop(0, _NCH // 2, dbl, 0)
        if _NCH % 2:
            step(_NCH - 1, 0)
        for b in range(2):
            pltpu.make_async_copy(convs[b], acc.at[dst_v.at[0, 0]],
                                  sems[b]).wait()
        plsc.subcore_barrier()

        @pl.when(sid < _WR_TILES)
        def _writeout():
            rbase = sid * _ROWS_OUT
            pltpu.sync_copy(acc.at[pl.ds(rbase, _ROWS_OUT)],
                            out_hbm.at[pl.ds(cid * _N + rbase, _ROWS_OUT)])

    return run(h, src2d, dst2d, zeros)


_B = 1000


def _pack_bf16(v):
    a = v.astype(jnp.bfloat16)
    parts = []
    for g in range(4):
        lo = lax.convert_element_type(
            lax.bitcast_convert_type(a[:, 32 * g:32 * g + 16], jnp.uint16),
            jnp.int32)
        hi = lax.convert_element_type(
            lax.bitcast_convert_type(a[:, 32 * g + 16:32 * g + 32], jnp.uint16),
            jnp.int32)
        parts.append((hi << 16) | lo)
    return jnp.concatenate(parts, axis=1)


def _reparam(v, escale):
    v0 = v[:, 0:1]
    time = escale / (1.0 + jnp.exp(-v0)) + 1.1
    sq = jnp.maximum(jnp.sum(v * v, axis=1, keepdims=True) - v0 * v0, 1e-8)
    sc = (time * time - 1.0) / sq
    scaled = v * jnp.sqrt(sc)
    col = lax.broadcasted_iota(jnp.int32, v.shape, 1)
    return jnp.where(col == 0, time, scaled)


def _centroid(s):
    s0 = s[:, 0:1]
    neg_inner = 2.0 * s0 * s0 - jnp.sum(s * s, axis=1, keepdims=True)
    return s / jnp.sqrt(jnp.maximum(jnp.abs(neg_inner), 1e-8))


def _tc1_body(x_ref, w1s_ref, w1t_ref, b1_ref, p_ref, out_ref):
    x = x_ref[...]
    sq = jnp.sum(x * x, axis=1, keepdims=True)
    nrm = jnp.sqrt(jnp.maximum(sq, 1e-8))
    e = jnp.exp(nrm)
    shn = 0.5 * (e - 1.0 / e)
    xs = x * (shn / nrm)
    time = jnp.sqrt(1.0 + jnp.sum(xs * xs, axis=1, keepdims=True))
    v = (jnp.dot(xs, w1s_ref[...], preferred_element_type=jnp.float32,
                 precision=lax.Precision.HIGHEST)
         + time * w1t_ref[...] + b1_ref[...])
    out_ref[...] = _pack_bf16(_reparam(v, p_ref[0, 0]))


def _tc2_body(lo_ref, hi_ref, w2_ref, b2_ref, p_ref, h_ref, y_ref):
    s = lo_ref[...] + hi_ref[...]
    h = _centroid(s)
    h_ref[...] = h
    xr = jnp.maximum(h, 0.0)
    v = jnp.dot(xr, w2_ref[...], preferred_element_type=jnp.float32,
                precision=lax.Precision.HIGHEST) + b2_ref[...]
    y_ref[...] = _pack_bf16(_reparam(v, p_ref[0, 1]))


def _tc3_body(lo_ref, hi_ref, h_ref, p_ref, out_ref):
    y = _centroid(lo_ref[...] + hi_ref[...])
    z = p_ref[0, 2] * h_ref[...] + p_ref[0, 3] * y
    out_ref[...] = _centroid(z)


def _row_spec():
    return pl.BlockSpec((_B, _D), lambda i: (i, 0))


def _hi_spec():
    return pl.BlockSpec((_B, _D), lambda i: (i + _N // _B, 0))


def _w_spec(shape):
    return pl.BlockSpec(shape, lambda i: (0, 0))


def _p_spec():
    return pl.BlockSpec(memory_space=pltpu.SMEM)


_GRID = (_N // _B,)


def _pk_spec():
    return pl.BlockSpec((_B, _D // 2), lambda i: (i, 0))


def _tc1(x, w1s, w1t, b1, params):
    return pl.pallas_call(
        _tc1_body,
        grid=_GRID,
        in_specs=[_row_spec(), _w_spec((_D, _D)), _w_spec((1, _D)),
                  _w_spec((1, _D)), _p_spec()],
        out_specs=_pk_spec(),
        out_shape=jax.ShapeDtypeStruct((_N, _D // 2), jnp.int32),
    )(x, w1s, w1t, b1, params)


def _tc2(partials, w2, b2, params):
    return pl.pallas_call(
        _tc2_body,
        grid=_GRID,
        in_specs=[_row_spec(), _hi_spec(), _w_spec((_D, _D)),
                  _w_spec((1, _D)), _p_spec()],
        out_specs=[_row_spec(), _pk_spec()],
        out_shape=[jax.ShapeDtypeStruct((_N, _D), jnp.float32),
                   jax.ShapeDtypeStruct((_N, _D // 2), jnp.int32)],
    )(partials, partials, w2, b2, params)


def _tc3(partials, h, params):
    return pl.pallas_call(
        _tc3_body,
        grid=_GRID,
        in_specs=[_row_spec(), _hi_spec(), _row_spec(), _p_spec()],
        out_specs=_row_spec(),
        out_shape=jax.ShapeDtypeStruct((_N, _D), jnp.float32),
    )(partials, partials, h, params)


def kernel(x, adj, W1, b1, scale1, W2, b2, scale2, wx, wy):
    src2d = adj[0].reshape(_NSC * _NTILE, _NCH, _C)
    dst2d = adj[1].reshape(_NSC * _NTILE, _NCH, _C)
    zeros = jnp.zeros((_N, _D), dtype=jnp.float32)
    params = jnp.stack([jnp.exp(scale1), jnp.exp(scale2), wx, wy]).reshape(1, 4)
    b1r = b1.reshape(1, _D)
    b2r = b2.reshape(1, _D)
    w1t = W1[0:1, :]
    w1s = W1[1:, :]

    h1_packed = _tc1(x, w1s, w1t, b1r, params)
    partials1 = _sc_segment_sum(h1_packed, src2d, dst2d, zeros)
    h, y_packed = _tc2(partials1, W2, b2r, params)
    partials2 = _sc_segment_sum(y_packed, src2d, dst2d, zeros)
    return _tc3(partials2, h, params)

# --- scband reference (transcript-rebuilt; emitter-appended) ---
"""Pipeline reference for scband-hybo-net-22136261444134 (READ-ONLY COPY).

The authoritative reference and input builder live on the scoring server;
editing this copy changes nothing except your own understanding.
"""

import jax, jax.numpy as jnp
import numpy as np

N = 10000
E = 320000
D_IN = 128
D_H = 128


def l_inner(x, y):
    # Lorentz inner product <x,y>_L = -x0*y0 + sum_i xi*yi, keepdim
    return -x[..., 0:1] * y[..., 0:1] + jnp.sum(x[..., 1:] * y[..., 1:], axis=-1, keepdims=True)


def lorentz_linear(x, W, b, scale, nonlin):
    # HyboNet LorentzLinear: affine map then re-parameterize the time coordinate
    if nonlin is not None:
        x = nonlin(x)
    x = x @ W + b
    x_narrow = x[..., 1:]
    time = jax.nn.sigmoid(x[..., 0:1]) * jnp.exp(scale) + 1.1
    sq = jnp.clip(jnp.sum(x_narrow * x_narrow, axis=-1, keepdims=True), 1e-8, None)
    sc = (time * time - 1.0) / sq
    return jnp.concatenate([time, x_narrow * jnp.sqrt(sc)], axis=-1)


def lorentz_agg(h, src, dst, n):
    # neighborhood aggregation (spmm with binary adjacency) + Lorentz centroid projection
    support = jax.ops.segment_sum(h[src], dst, num_segments=n)
    denom = jnp.sqrt(jnp.clip(jnp.abs(-l_inner(support, support)), 1e-8, None))
    return support / denom


def setup_inputs(seed: int = 0):
    key = jax.random.key(seed)
    ks = jax.random.split(key, 6)
    x = jax.random.normal(ks[0], (N, D_IN), dtype=jnp.float32)
    adj = jax.random.randint(ks[1], (2, E), 0, N, dtype=jnp.int32)
    W1 = jax.random.normal(ks[2], (D_IN + 1, D_H), dtype=jnp.float32) * 0.05
    b1 = jnp.zeros((D_H,), dtype=jnp.float32)
    scale1 = jnp.asarray(np.log(10.0), dtype=jnp.float32)
    W2 = jax.random.normal(ks[3], (D_H, D_H), dtype=jnp.float32) * 0.05
    b2 = jnp.zeros((D_H,), dtype=jnp.float32)
    scale2 = jnp.asarray(np.log(10.0), dtype=jnp.float32)
    wx = jnp.asarray(1.0, dtype=jnp.float32)
    wy = jnp.asarray(1.0, dtype=jnp.float32)
    return {"x": x, "adj": adj, "W1": W1, "b1": b1, "scale1": scale1, "W2": W2, "b2": b2, "scale2": scale2, "wx": wx, "wy": wy}


def reference(x, adj, W1, b1, scale1, W2, b2, scale2, wx, wy):
    src = adj[0]
    dst = adj[1]
    n = x.shape[0]
    # prepend zero time column
    o = jnp.zeros((n, 1), dtype=x.dtype)
    xc = jnp.concatenate([o, x], axis=1)
    # proj_tan0: zero out time component (already zero here, keep faithful)
    u = xc.at[:, 0].set(0.0)
    # expmap0 on Lorentz manifold, c = 1
    sp = u[:, 1:]
    nrm = jnp.sqrt(jnp.clip(jnp.sum(sp * sp, axis=-1, keepdims=True), 1e-8, None))
    xh = jnp.concatenate([jnp.cosh(nrm), jnp.sinh(nrm) * sp / nrm], axis=-1)
    # projx: fix time coord onto hyperboloid
    xs = xh[:, 1:]
    xh = jnp.concatenate([jnp.sqrt(1.0 + jnp.sum(xs * xs, axis=-1, keepdims=True)), xs], axis=-1)
    # conv1: LorentzLinear (no nonlin) + LorentzAgg
    h = lorentz_linear(xh, W1, b1, scale1, None)
    h = lorentz_agg(h, src, dst, n)
    # conv2: LorentzLinear (relu nonlin) + LorentzAgg
    y = lorentz_linear(h, W2, b2, scale2, jax.nn.relu)
    y = lorentz_agg(y, src, dst, n)
    # LResNet: weighted Lorentzian residual, renormalized onto hyperboloid
    z = wx * h + wy * y
    denom = jnp.sqrt(jnp.clip(jnp.abs(-l_inner(z, z)), 1e-8, None))
    return z / denom

if __name__ == "__main__":
    import jax
    _d = setup_inputs()
    print(jax.jit(kernel)(*tuple(_d.values())))

</pallas_src>

<mosaic_0001>
#map = affine_map<(d0, d1) -> (0, 0)>
#map1 = affine_map<(d0, d1) -> (0, 0, 0)>
module attributes {stable_mosaic.version = 14 : i64} {
  func.func @run(%arg0: i32, %arg1: i32, %arg2: memref<10000x64xi32, #tpu.memory_space<hbm>>, %arg3: memref<32x125x80xi32, #tpu.memory_space<hbm>>, %arg4: memref<32x125x80xi32, #tpu.memory_space<hbm>>, %arg5: memref<10000x128xf32, #tpu.memory_space<hbm>>, %arg6: memref<20000x128xf32, #tpu.memory_space<hbm>>, %arg7: memref<1x125x80xi32, #tpu.memory_space<vmem>>, %arg8: memref<1x125x80xi32, #tpu.memory_space<vmem>>, %arg9: memref<80x64xi32, #tpu.memory_space<vmem>>, %arg10: memref<80x64xi32, #tpu.memory_space<vmem>>, %arg11: memref<80x128xf32, #tpu.memory_space<vmem>>, %arg12: memref<80x128xf32, #tpu.memory_space<vmem>>, %arg13: memref<10000x128xf32, #tpu.memory_space<vmem_shared>>, %arg14: memref<!tpu.dma_semaphore, #tpu.memory_space<semaphore_mem>>, %arg15: memref<!tpu.dma_semaphore, #tpu.memory_space<semaphore_mem>>, %arg16: memref<!tpu.dma_semaphore, #tpu.memory_space<semaphore_mem>>, %arg17: memref<!tpu.dma_semaphore, #tpu.memory_space<semaphore_mem>>) attributes {dimension_semantics = [#tpu.dimension_semantics<core_parallel>, #tpu.dimension_semantics<subcore_parallel>], iteration_bounds = array<i64: 2, 16>, scalar_prefetch = 0 : i64, scratch_operands = 11 : i64, tpu.core_type = #tpu.core_type<sc_vector_subcore>, window_params = [{transform_indices = #map}, {transform_indices = #map1}, {transform_indices = #map1}, {transform_indices = #map}, {transform_indices = #map}]} {
    %eq3A = arith.constant 0 : i32
    %eq3A_0 = arith.cmpi eq, %arg1, %eq3A : i32
    %convert_element_type3A = arith.extui %eq3A_0 : i1 to i32
    %cond3A = arith.constant 0 : i32
    %cond3A_1 = arith.cmpi ne, %convert_element_type3A, %cond3A : i32
    scf.if %cond3A_1 {
      "tpu.region"() ({
        %run_scoped3A = tpu.sem_alloc : memref<!tpu.dma_semaphore, #tpu.memory_space<semaphore_mem>>
        tpu.enqueue_dma source(%arg5 : memref<10000x128xf32, #tpu.memory_space<hbm>>) target(%arg13 : memref<10000x128xf32, #tpu.memory_space<vmem_shared>>) target_semaphore(%run_scoped3A : memref<!tpu.dma_semaphore, #tpu.memory_space<semaphore_mem>>)
        tpu.wait_dma2 semaphore(%run_scoped3A : memref<!tpu.dma_semaphore, #tpu.memory_space<semaphore_mem>>) src(%arg5 : memref<10000x128xf32, #tpu.memory_space<hbm>>) dst(%arg13 : memref<10000x128xf32, #tpu.memory_space<vmem_shared>>)
        tpu.yield
      }) : () -> ()
    } else {
    }
    %mul3A = arith.constant 16 : i32
    %mul3A_2 = arith.muli %arg0, %mul3A : i32
    %add3A = arith.addi %mul3A_2, %arg1 : i32
    "tpu.region"() ({
      %run_scoped3A = tpu.sem_alloc : memref<!tpu.dma_semaphore, #tpu.memory_space<semaphore_mem>>
      %dma_start3A_73 = arith.constant 0 : i32
      %dma_start3A_74 = arith.constant 0 : i32
      %dma_start3A_75 = tpu.memref_slice %arg3[%add3A, %dma_start3A_73, %dma_start3A_74] : memref<32x125x80xi32, #tpu.memory_space<hbm>> -> memref<1x125x80xi32, #tpu.memory_space<hbm>>
      %dma_start3A_76 = arith.constant 0 : i32
      %dma_start3A_77 = arith.constant 0 : i32
      %dma_start3A_78 = tpu.memref_slice %arg3[%add3A, %dma_start3A_76, %dma_start3A_77] : memref<32x125x80xi32, #tpu.memory_space<hbm>> -> memref<1x125x80xi32, #tpu.memory_space<hbm>>
      tpu.enqueue_dma source(%dma_start3A_78 : memref<1x125x80xi32, #tpu.memory_space<hbm>>) target(%arg7 : memref<1x125x80xi32, #tpu.memory_space<vmem>>) target_semaphore(%run_scoped3A : memref<!tpu.dma_semaphore, #tpu.memory_space<semaphore_mem>>)
      %dma_wait3A_79 = arith.constant 0 : i32
      %dma_wait3A_80 = arith.constant 0 : i32
      %dma_wait3A_81 = tpu.memref_slice %arg3[%add3A, %dma_wait3A_79, %dma_wait3A_80] : memref<32x125x80xi32, #tpu.memory_space<hbm>> -> memref<1x125x80xi32, #tpu.memory_space<hbm>>
      %dma_wait3A_82 = arith.constant 0 : i32
      %dma_wait3A_83 = arith.constant 0 : i32
      %dma_wait3A_84 = tpu.memref_slice %arg3[%add3A, %dma_wait3A_82, %dma_wait3A_83] : memref<32x125x80xi32, #tpu.memory_space<hbm>> -> memref<1x125x80xi32, #tpu.memory_space<hbm>>
      tpu.wait_dma2 semaphore(%run_scoped3A : memref<!tpu.dma_semaphore, #tpu.memory_space<semaphore_mem>>) src(%dma_wait3A_84 : memref<1x125x80xi32, #tpu.memory_space<hbm>>) dst(%arg7 : memref<1x125x80xi32, #tpu.memory_space<vmem>>)
      tpu.yield
    }) : () -> ()
    "tpu.region"() ({
      %run_scoped3A = tpu.sem_alloc : memref<!tpu.dma_semaphore, #tpu.memory_space<semaphore_mem>>
      %dma_start3A_73 = arith.constant 0 : i32
      %dma_start3A_74 = arith.constant 0 : i32
      %dma_start3A_75 = tpu.memref_slice %arg4[%add3A, %dma_start3A_73, %dma_start3A_74] : memref<32x125x80xi32, #tpu.memory_space<hbm>> -> memref<1x125x80xi32, #tpu.memory_space<hbm>>
      %dma_start3A_76 = arith.constant 0 : i32
      %dma_start3A_77 = arith.constant 0 : i32
      %dma_start3A_78 = tpu.memref_slice %arg4[%add3A, %dma_start3A_76, %dma_start3A_77] : memref<32x125x80xi32, #tpu.memory_space<hbm>> -> memref<1x125x80xi32, #tpu.memory_space<hbm>>
      tpu.enqueue_dma source(%dma_start3A_78 : memref<1x125x80xi32, #tpu.memory_space<hbm>>) target(%arg8 : memref<1x125x80xi32, #tpu.memory_space<vmem>>) target_semaphore(%run_scoped3A : memref<!tpu.dma_semaphore, #tpu.memory_space<semaphore_mem>>)
      %dma_wait3A_79 = arith.constant 0 : i32
      %dma_wait3A_80 = arith.constant 0 : i32
      %dma_wait3A_81 = tpu.memref_slice %arg4[%add3A, %dma_wait3A_79, %dma_wait3A_80] : memref<32x125x80xi32, #tpu.memory_space<hbm>> -> memref<1x125x80xi32, #tpu.memory_space<hbm>>
      %dma_wait3A_82 = arith.constant 0 : i32
      %dma_wait3A_83 = arith.constant 0 : i32
      %dma_wait3A_84 = tpu.memref_slice %arg4[%add3A, %dma_wait3A_82, %dma_wait3A_83] : memref<32x125x80xi32, #tpu.memory_space<hbm>> -> memref<1x125x80xi32, #tpu.memory_space<hbm>>
      tpu.wait_dma2 semaphore(%run_scoped3A : memref<!tpu.dma_semaphore, #tpu.memory_space<semaphore_mem>>) src(%dma_wait3A_84 : memref<1x125x80xi32, #tpu.memory_space<hbm>>) dst(%arg8 : memref<1x125x80xi32, #tpu.memory_space<vmem>>)
      tpu.yield
    }) : () -> ()
    %barrier3A = arith.constant 0 : index
    tpu.barrier barrier_id(%barrier3A)
    %dma_start3A = arith.constant 0 : i32
    %dma_start3A_3 = arith.constant 0 : i32
    %dma_start3A_4 = arith.constant 0 : i32
    %dma_start3A_5 = tpu.memref_slice %arg7[%dma_start3A, %dma_start3A_3, %dma_start3A_4] : memref<1x125x80xi32, #tpu.memory_space<vmem>> -> memref<1x1x80xi32, #tpu.memory_space<vmem>>
    %dma_start3A_6 = tpu.memref_squeeze %dma_start3A_5 : memref<1x1x80xi32, #tpu.memory_space<vmem>> -> memref<80xi32, #tpu.memory_space<vmem>>
    %dma_start3A_7 = arith.constant 0 : i32
    %dma_start3A_8 = arith.constant 0 : i32
    %dma_start3A_9 = tpu.memref_slice %arg2[%dma_start3A_7, %dma_start3A_8] : memref<10000x64xi32, #tpu.memory_space<hbm>> -> memref<10000x64xi32, #tpu.memory_space<hbm>>
    tpu.enqueue_indirect_dma source(%dma_start3A_9 : memref<10000x64xi32, #tpu.memory_space<hbm>>) target(%arg9 : memref<80x64xi32, #tpu.memory_space<vmem>>) offsets(%dma_start3A_6 : memref<80xi32, #tpu.memory_space<vmem>>) semaphore(%arg14 : memref<!tpu.dma_semaphore, #tpu.memory_space<semaphore_mem>>)
    %dma_start3A_10 = arith.constant 0 : i32
    %dma_start3A_11 = arith.constant 1 : i32
    %dma_start3A_12 = arith.constant 0 : i32
    %dma_start3A_13 = tpu.memref_slice %arg7[%dma_start3A_10, %dma_start3A_11, %dma_start3A_12] : memref<1x125x80xi32, #tpu.memory_space<vmem>> -> memref<1x1x80xi32, #tpu.memory_space<vmem>>
    %dma_start3A_14 = tpu.memref_squeeze %dma_start3A_13 : memref<1x1x80xi32, #tpu.memory_space<vmem>> -> memref<80xi32, #tpu.memory_space<vmem>>
    %dma_start3A_15 = arith.constant 0 : i32
    %dma_start3A_16 = arith.constant 0 : i32
    %dma_start3A_17 = tpu.memref_slice %arg2[%dma_start3A_15, %dma_start3A_16] : memref<10000x64xi32, #tpu.memory_space<hbm>> -> memref<10000x64xi32, #tpu.memory_space<hbm>>
    tpu.enqueue_indirect_dma source(%dma_start3A_17 : memref<10000x64xi32, #tpu.memory_space<hbm>>) target(%arg10 : memref<80x64xi32, #tpu.memory_space<vmem>>) offsets(%dma_start3A_14 : memref<80xi32, #tpu.memory_space<vmem>>) semaphore(%arg15 : memref<!tpu.dma_semaphore, #tpu.memory_space<semaphore_mem>>)
    %scan3A = arith.constant 0 : i32
    %scan3A_18 = arith.constant 0 : i32
    %scan3A_19 = arith.constant 62 : i32
    %scan3A_20 = arith.addi %scan3A_18, %scan3A_19 : i32
    %scan3A_21 = arith.constant 1 : i32
    scf.for %scan3A_73 = %scan3A_18 to %scan3A_20 step %scan3A_21  : i32 {
      %mul3A_74 = arith.constant 2 : i32
      %mul3A_75 = arith.muli %scan3A_73, %mul3A_74 : i32
      %dma_wait3A_76 = arith.constant 0 : i32
      %dma_wait3A_77 = arith.constant 0 : i32
      %dma_wait3A_78 = tpu.memref_slice %arg7[%dma_wait3A_76, %mul3A_75, %dma_wait3A_77] : memref<1x125x80xi32, #tpu.memory_space<vmem>> -> memref<1x1x80xi32, #tpu.memory_space<vmem>>
      %dma_wait3A_79 = tpu.memref_squeeze %dma_wait3A_78 : memref<1x1x80xi32, #tpu.memory_space<vmem>> -> memref<80xi32, #tpu.memory_space<vmem>>
      %dma_wait3A_80 = arith.constant 0 : i32
      %dma_wait3A_81 = arith.constant 0 : i32
      %dma_wait3A_82 = tpu.memref_slice %arg2[%dma_wait3A_80, %dma_wait3A_81] : memref<10000x64xi32, #tpu.memory_space<hbm>> -> memref<10000x64xi32, #tpu.memory_space<hbm>>
      tpu.wait_indirect_dma semaphore(%arg14 : memref<!tpu.dma_semaphore, #tpu.memory_space<semaphore_mem>>) src(%dma_wait3A_82 : memref<10000x64xi32, #tpu.memory_space<hbm>>) dst(%arg9 : memref<80x64xi32, #tpu.memory_space<vmem>>)
      %ge3A = arith.constant 2 : i32
      %ge3A_83 = arith.cmpi sge, %mul3A_75, %ge3A : i32
      %convert_element_type3A_84 = arith.extui %ge3A_83 : i1 to i32
      %cond3A_85 = arith.constant 0 : i32
      %cond3A_86 = arith.cmpi ne, %convert_element_type3A_84, %cond3A_85 : i32
      scf.if %cond3A_86 {
        %dma_wait3A_143 = arith.constant 0 : i32
        %dma_wait3A_144 = arith.constant 0 : i32
        %dma_wait3A_145 = arith.constant 0 : i32
        %dma_wait3A_146 = tpu.memref_slice %arg8[%dma_wait3A_143, %dma_wait3A_144, %dma_wait3A_145] : memref<1x125x80xi32, #tpu.memory_space<vmem>> -> memref<1x1x80xi32, #tpu.memory_space<vmem>>
        %dma_wait3A_147 = tpu.memref_squeeze %dma_wait3A_146 : memref<1x1x80xi32, #tpu.memory_space<vmem>> -> memref<80xi32, #tpu.memory_space<vmem>>
        %dma_wait3A_148 = arith.constant 0 : i32
        %dma_wait3A_149 = arith.constant 0 : i32
        %dma_wait3A_150 = tpu.memref_slice %arg13[%dma_wait3A_148, %dma_wait3A_149] : memref<10000x128xf32, #tpu.memory_space<vmem_shared>> -> memref<10000x128xf32, #tpu.memory_space<vmem_shared>>
        tpu.wait_indirect_dma semaphore(%arg16 : memref<!tpu.dma_semaphore, #tpu.memory_space<semaphore_mem>>) src(%arg11 : memref<80x128xf32, #tpu.memory_space<vmem>>) dst(%dma_wait3A_150 : memref<10000x128xf32, #tpu.memory_space<vmem_shared>>)
      } else {
      }
      %scan3A_87 = arith.constant 0 : i32
      %scan3A_88 = arith.constant 0 : i32
      %scan3A_89 = arith.constant 80 : i32
      %scan3A_90 = arith.addi %scan3A_88, %scan3A_89 : i32
      %scan3A_91 = arith.constant 1 : i32
      scf.for %scan3A_143 = %scan3A_88 to %scan3A_90 step %scan3A_91  : i32 {
        %get3A = arith.index_cast %scan3A_143 : i32 to index
        %get3A_144 = arith.constant 0 : index
        %get3A_145 = tpu.vector_load %arg9[%get3A, %get3A_144] {strides = array<i32>} : memref<80x64xi32, #tpu.memory_space<vmem>>, vector<16xi32>,
        %shift_left3A = arith.constant 16 : i32
        %shift_left3A_146 = vector.broadcast %shift_left3A : i32 to vector<16xi32>
        %shift_left3A_147 = arith.shli %get3A_145, %shift_left3A_146 : vector<16xi32>
        %bitcast3A = vector.bitcast %shift_left3A_147 : vector<16xi32> to vector<16xf32>
        %swap3A = arith.index_cast %scan3A_143 : i32 to index
        %swap3A_148 = arith.constant 0 : index
        %swap3A_149 = tpu.vector_load %arg11[%swap3A, %swap3A_148] {strides = array<i32>} : memref<80x128xf32, #tpu.memory_space<vmem>>, vector<16xf32>,
        tpu.vector_store %arg11[%swap3A, %swap3A_148], %bitcast3A {strides = array<i32>} : memref<80x128xf32, #tpu.memory_space<vmem>>, vector<16xf32>,
        %and3A = arith.constant -65536 : i32
        %and3A_150 = vector.broadcast %and3A : i32 to vector<16xi32>
        %and3A_151 = arith.andi %get3A_145, %and3A_150 : vector<16xi32>
        %bitcast3A_152 = vector.bitcast %and3A_151 : vector<16xi32> to vector<16xf32>
        %swap3A_153 = arith.index_cast %scan3A_143 : i32 to index
        %swap3A_154 = arith.constant 16 : index
        %swap3A_155 = tpu.vector_load %arg11[%swap3A_153, %swap3A_154] {strides = array<i32>} : memref<80x128xf32, #tpu.memory_space<vmem>>, vector<16xf32>,
        tpu.vector_store %arg11[%swap3A_153, %swap3A_154], %bitcast3A_152 {strides = array<i32>} : memref<80x128xf32, #tpu.memory_space<vmem>>, vector<16xf32>,
        %get3A_156 = arith.index_cast %scan3A_143 : i32 to index
        %get3A_157 = arith.constant 16 : index
        %get3A_158 = tpu.vector_load %arg9[%get3A_156, %get3A_157] {strides = array<i32>} : memref<80x64xi32, #tpu.memory_space<vmem>>, vector<16xi32>,
        %shift_left3A_159 = arith.constant 16 : i32
        %shift_left3A_160 = vector.broadcast %shift_left3A_159 : i32 to vector<16xi32>
        %shift_left3A_161 = arith.shli %get3A_158, %shift_left3A_160 : vector<16xi32>
        %bitcast3A_162 = vector.bitcast %shift_left3A_161 : vector<16xi32> to vector<16xf32>
        %swap3A_163 = arith.index_cast %scan3A_143 : i32 to index
        %swap3A_164 = arith.constant 32 : index
        %swap3A_165 = tpu.vector_load %arg11[%swap3A_163, %swap3A_164] {strides = array<i32>} : memref<80x128xf32, #tpu.memory_space<vmem>>, vector<16xf32>,
        tpu.vector_store %arg11[%swap3A_163, %swap3A_164], %bitcast3A_162 {strides = array<i32>} : memref<80x128xf32, #tpu.memory_space<vmem>>, vector<16xf32>,
        %and3A_166 = arith.constant -65536 : i32
        %and3A_167 = vector.broadcast %and3A_166 : i32 to vector<16xi32>
        %and3A_168 = arith.andi %get3A_158, %and3A_167 : vector<16xi32>
        %bitcast3A_169 = vector.bitcast %and3A_168 : vector<16xi32> to vector<16xf32>
        %swap3A_170 = arith.index_cast %scan3A_143 : i32 to index
        %swap3A_171 = arith.constant 48 : index
        %swap3A_172 = tpu.vector_load %arg11[%swap3A_170, %swap3A_171] {strides = array<i32>} : memref<80x128xf32, #tpu.memory_space<vmem>>, vector<16xf32>,
        tpu.vector_store %arg11[%swap3A_170, %swap3A_171], %bitcast3A_169 {strides = array<i32>} : memref<80x128xf32, #tpu.memory_space<vmem>>, vector<16xf32>,
        %get3A_173 = arith.index_cast %scan3A_143 : i32 to index
        %get3A_174 = arith.constant 32 : index
        %get3A_175 = tpu.vector_load %arg9[%get3A_173, %get3A_174] {strides = array<i32>} : memref<80x64xi32, #tpu.memory_space<vmem>>, vector<16xi32>,
        %shift_left3A_176 = arith.constant 16 : i32
        %shift_left3A_177 = vector.broadcast %shift_left3A_176 : i32 to vector<16xi32>
        %shift_left3A_178 = arith.shli %get3A_175, %shift_left3A_177 : vector<16xi32>
        %bitcast3A_179 = vector.bitcast %shift_left3A_178 : vector<16xi32> to vector<16xf32>
        %swap3A_180 = arith.index_cast %scan3A_143 : i32 to index
        %swap3A_181 = arith.constant 64 : index
        %swap3A_182 = tpu.vector_load %arg11[%swap3A_180, %swap3A_181] {strides = array<i32>} : memref<80x128xf32, #tpu.memory_space<vmem>>, vector<16xf32>,
        tpu.vector_store %arg11[%swap3A_180, %swap3A_181], %bitcast3A_179 {strides = array<i32>} : memref<80x128xf32, #tpu.memory_space<vmem>>, vector<16xf32>,
        %and3A_183 = arith.constant -65536 : i32
        %and3A_184 = vector.broadcast %and3A_183 : i32 to vector<16xi32>
        %and3A_185 = arith.andi %get3A_175, %and3A_184 : vector<16xi32>
        %bitcast3A_186 = vector.bitcast %and3A_185 : vector<16xi32> to vector<16xf32>
        %swap3A_187 = arith.index_cast %scan3A_143 : i32 to index
        %swap3A_188 = arith.constant 80 : index
        %swap3A_189 = tpu.vector_load %arg11[%swap3A_187, %swap3A_188] {strides = array<i32>} : memref<80x128xf32, #tpu.memory_space<vmem>>, vector<16xf32>,
        tpu.vector_store %arg11[%swap3A_187, %swap3A_188], %bitcast3A_186 {strides = array<i32>} : memref<80x128xf32, #tpu.memory_space<vmem>>, vector<16xf32>,
        %get3A_190 = arith.index_cast %scan3A_143 : i32 to index
        %get3A_191 = arith.constant 48 : index
        %get3A_192 = tpu.vector_load %arg9[%get3A_190, %get3A_191] {strides = array<i32>} : memref<80x64xi32, #tpu.memory_space<vmem>>, vector<16xi32>,
        %shift_left3A_193 = arith.constant 16 : i32
        %shift_left3A_194 = vector.broadcast %shift_left3A_193 : i32 to vector<16xi32>
        %shift_left3A_195 = arith.shli %get3A_192, %shift_left3A_194 : vector<16xi32>
        %bitcast3A_196 = vector.bitcast %shift_left3A_195 : vector<16xi32> to vector<16xf32>
        %swap3A_197 = arith.index_cast %scan3A_143 : i32 to index
        %swap3A_198 = arith.constant 96 : index
        %swap3A_199 = tpu.vector_load %arg11[%swap3A_197, %swap3A_198] {strides = array<i32>} : memref<80x128xf32, #tpu.memory_space<vmem>>, vector<16xf32>,
        tpu.vector_store %arg11[%swap3A_197, %swap3A_198], %bitcast3A_196 {strides = array<i32>} : memref<80x128xf32, #tpu.memory_space<vmem>>, vector<16xf32>,
        %and3A_200 = arith.constant -65536 : i32
        %and3A_201 = vector.broadcast %and3A_200 : i32 to vector<16xi32>
        %and3A_202 = arith.andi %get3A_192, %and3A_201 : vector<16xi32>
        %bitcast3A_203 = vector.bitcast %and3A_202 : vector<16xi32> to vector<16xf32>
        %swap3A_204 = arith.index_cast %scan3A_143 : i32 to index
        %swap3A_205 = arith.constant 112 : index
        %swap3A_206 = tpu.vector_load %arg11[%swap3A_204, %swap3A_205] {strides = array<i32>} : memref<80x128xf32, #tpu.memory_space<vmem>>, vector<16xf32>,
        tpu.vector_store %arg11[%swap3A_204, %swap3A_205], %bitcast3A_203 {strides = array<i32>} : memref<80x128xf32, #tpu.memory_space<vmem>>, vector<16xf32>,
      }
      %scan3A_92 = arith.constant 80 : i32
      %dma_start3A_93 = arith.constant 0 : i32
      %dma_start3A_94 = arith.constant 0 : i32
      %dma_start3A_95 = tpu.memref_slice %arg8[%dma_start3A_93, %mul3A_75, %dma_start3A_94] : memref<1x125x80xi32, #tpu.memory_space<vmem>> -> memref<1x1x80xi32, #tpu.memory_space<vmem>>
      %dma_start3A_96 = tpu.memref_squeeze %dma_start3A_95 : memref<1x1x80xi32, #tpu.memory_space<vmem>> -> memref<80xi32, #tpu.memory_space<vmem>>
      %dma_start3A_97 = arith.constant 0 : i32
      %dma_start3A_98 = arith.constant 0 : i32
      %dma_start3A_99 = tpu.memref_slice %arg13[%dma_start3A_97, %dma_start3A_98] : memref<10000x128xf32, #tpu.memory_space<vmem_shared>> -> memref<10000x128xf32, #tpu.memory_space<vmem_shared>>
      tpu.enqueue_indirect_dma source(%arg11 : memref<80x128xf32, #tpu.memory_space<vmem>>) target(%dma_start3A_99 : memref<10000x128xf32, #tpu.memory_space<vmem_shared>>) offsets(%dma_start3A_96 : memref<80xi32, #tpu.memory_space<vmem>>) semaphore(%arg16 : memref<!tpu.dma_semaphore, #tpu.memory_space<semaphore_mem>>) {add = true}
      %add3A_100 = arith.constant 2 : i32
      %add3A_101 = arith.addi %mul3A_75, %add3A_100 : i32
      %lt3A_102 = arith.constant 125 : i32
      %lt3A_103 = arith.cmpi slt, %add3A_101, %lt3A_102 : i32
      %convert_element_type3A_104 = arith.extui %lt3A_103 : i1 to i32
      %cond3A_105 = arith.constant 0 : i32
      %cond3A_106 = arith.cmpi ne, %convert_element_type3A_104, %cond3A_105 : i32
      scf.if %cond3A_106 {
        %add3A_143 = arith.constant 2 : i32
        %add3A_144 = arith.addi %mul3A_75, %add3A_143 : i32
        %dma_start3A_145 = arith.constant 0 : i32
        %dma_start3A_146 = arith.constant 0 : i32
        %dma_start3A_147 = tpu.memref_slice %arg7[%dma_start3A_145, %add3A_144, %dma_start3A_146] : memref<1x125x80xi32, #tpu.memory_space<vmem>> -> memref<1x1x80xi32, #tpu.memory_space<vmem>>
        %dma_start3A_148 = tpu.memref_squeeze %dma_start3A_147 : memref<1x1x80xi32, #tpu.memory_space<vmem>> -> memref<80xi32, #tpu.memory_space<vmem>>
        %dma_start3A_149 = arith.constant 0 : i32
        %dma_start3A_150 = arith.constant 0 : i32
        %dma_start3A_151 = tpu.memref_slice %arg2[%dma_start3A_149, %dma_start3A_150] : memref<10000x64xi32, #tpu.memory_space<hbm>> -> memref<10000x64xi32, #tpu.memory_space<hbm>>
        tpu.enqueue_indirect_dma source(%dma_start3A_151 : memref<10000x64xi32, #tpu.memory_space<hbm>>) target(%arg9 : memref<80x64xi32, #tpu.memory_space<vmem>>) offsets(%dma_start3A_148 : memref<80xi32, #tpu.memory_space<vmem>>) semaphore(%arg14 : memref<!tpu.dma_semaphore, #tpu.memory_space<semaphore_mem>>)
      } else {
      }
      %mul3A_107 = arith.constant 2 : i32
      %mul3A_108 = arith.muli %scan3A_73, %mul3A_107 : i32
      %add3A_109 = arith.constant 1 : i32
      %add3A_110 = arith.addi %mul3A_108, %add3A_109 : i32
      %dma_wait3A_111 = arith.constant 0 : i32
      %dma_wait3A_112 = arith.constant 0 : i32
      %dma_wait3A_113 = tpu.memref_slice %arg7[%dma_wait3A_111, %add3A_110, %dma_wait3A_112] : memref<1x125x80xi32, #tpu.memory_space<vmem>> -> memref<1x1x80xi32, #tpu.memory_space<vmem>>
      %dma_wait3A_114 = tpu.memref_squeeze %dma_wait3A_113 : memref<1x1x80xi32, #tpu.memory_space<vmem>> -> memref<80xi32, #tpu.memory_space<vmem>>
      %dma_wait3A_115 = arith.constant 0 : i32
      %dma_wait3A_116 = arith.constant 0 : i32
      %dma_wait3A_117 = tpu.memref_slice %arg2[%dma_wait3A_115, %dma_wait3A_116] : memref<10000x64xi32, #tpu.memory_space<hbm>> -> memref<10000x64xi32, #tpu.memory_space<hbm>>
      tpu.wait_indirect_dma semaphore(%arg15 : memref<!tpu.dma_semaphore, #tpu.memory_space<semaphore_mem>>) src(%dma_wait3A_117 : memref<10000x64xi32, #tpu.memory_space<hbm>>) dst(%arg10 : memref<80x64xi32, #tpu.memory_space<vmem>>)
      %ge3A_118 = arith.constant 2 : i32
      %ge3A_119 = arith.cmpi sge, %add3A_110, %ge3A_118 : i32
      %convert_element_type3A_120 = arith.extui %ge3A_119 : i1 to i32
      %cond3A_121 = arith.constant 0 : i32
      %cond3A_122 = arith.cmpi ne, %convert_element_type3A_120, %cond3A_121 : i32
      scf.if %cond3A_122 {
        %dma_wait3A_143 = arith.constant 0 : i32
        %dma_wait3A_144 = arith.constant 0 : i32
        %dma_wait3A_145 = arith.constant 0 : i32
        %dma_wait3A_146 = tpu.memref_slice %arg8[%dma_wait3A_143, %dma_wait3A_144, %dma_wait3A_145] : memref<1x125x80xi32, #tpu.memory_space<vmem>> -> memref<1x1x80xi32, #tpu.memory_space<vmem>>
        %dma_wait3A_147 = tpu.memref_squeeze %dma_wait3A_146 : memref<1x1x80xi32, #tpu.memory_space<vmem>> -> memref<80xi32, #tpu.memory_space<vmem>>
        %dma_wait3A_148 = arith.constant 0 : i32
        %dma_wait3A_149 = arith.constant 0 : i32
        %dma_wait3A_150 = tpu.memref_slice %arg13[%dma_wait3A_148, %dma_wait3A_149] : memref<10000x128xf32, #tpu.memory_space<vmem_shared>> -> memref<10000x128xf32, #tpu.memory_space<vmem_shared>>
        tpu.wait_indirect_dma semaphore(%arg17 : memref<!tpu.dma_semaphore, #tpu.memory_space<semaphore_mem>>) src(%arg12 : memref<80x128xf32, #tpu.memory_space<vmem>>) dst(%dma_wait3A_150 : memref<10000x128xf32, #tpu.memory_space<vmem_shared>>)
      } else {
      }
      %scan3A_123 = arith.constant 0 : i32
      %scan3A_124 = arith.constant 0 : i32
      %scan3A_125 = arith.constant 80 : i32
      %scan3A_126 = arith.addi %scan3A_124, %scan3A_125 : i32
      %scan3A_127 = arith.constant 1 : i32
      scf.for %scan3A_143 = %scan3A_124 to %scan3A_126 step %scan3A_127  : i32 {
        %get3A = arith.index_cast %scan3A_143 : i32 to index
        %get3A_144 = arith.constant 0 : index
        %get3A_145 = tpu.vector_load %arg10[%get3A, %get3A_144] {strides = array<i32>} : memref<80x64xi32, #tpu.memory_space<vmem>>, vector<16xi32>,
        %shift_left3A = arith.constant 16 : i32
        %shift_left3A_146 = vector.broadcast %shift_left3A : i32 to vector<16xi32>
        %shift_left3A_147 = arith.shli %get3A_145, %shift_left3A_146 : vector<16xi32>
        %bitcast3A = vector.bitcast %shift_left3A_147 : vector<16xi32> to vector<16xf32>
        %swap3A = arith.index_cast %scan3A_143 : i32 to index
        %swap3A_148 = arith.constant 0 : index
        %swap3A_149 = tpu.vector_load %arg12[%swap3A, %swap3A_148] {strides = array<i32>} : memref<80x128xf32, #tpu.memory_space<vmem>>, vector<16xf32>,
        tpu.vector_store %arg12[%swap3A, %swap3A_148], %bitcast3A {strides = array<i32>} : memref<80x128xf32, #tpu.memory_space<vmem>>, vector<16xf32>,
        %and3A = arith.constant -65536 : i32
        %and3A_150 = vector.broadcast %and3A : i32 to vector<16xi32>
        %and3A_151 = arith.andi %get3A_145, %and3A_150 : vector<16xi32>
        %bitcast3A_152 = vector.bitcast %and3A_151 : vector<16xi32> to vector<16xf32>
        %swap3A_153 = arith.index_cast %scan3A_143 : i32 to index
        %swap3A_154 = arith.constant 16 : index
        %swap3A_155 = tpu.vector_load %arg12[%swap3A_153, %swap3A_154] {strides = array<i32>} : memref<80x128xf32, #tpu.memory_space<vmem>>, vector<16xf32>,
        tpu.vector_store %arg12[%swap3A_153, %swap3A_154], %bitcast3A_152 {strides = array<i32>} : memref<80x128xf32, #tpu.memory_space<vmem>>, vector<16xf32>,
        %get3A_156 = arith.index_cast %scan3A_143 : i32 to index
        %get3A_157 = arith.constant 16 : index
        %get3A_158 = tpu.vector_load %arg10[%get3A_156, %get3A_157] {strides = array<i32>} : memref<80x64xi32, #tpu.memory_space<vmem>>, vector<16xi32>,
        %shift_left3A_159 = arith.constant 16 : i32
        %shift_left3A_160 = vector.broadcast %shift_left3A_159 : i32 to vector<16xi32>
        %shift_left3A_161 = arith.shli %get3A_158, %shift_left3A_160 : vector<16xi32>
        %bitcast3A_162 = vector.bitcast %shift_left3A_161 : vector<16xi32> to vector<16xf32>
        %swap3A_163 = arith.index_cast %scan3A_143 : i32 to index
        %swap3A_164 = arith.constant 32 : index
        %swap3A_165 = tpu.vector_load %arg12[%swap3A_163, %swap3A_164] {strides = array<i32>} : memref<80x128xf32, #tpu.memory_space<vmem>>, vector<16xf32>,
        tpu.vector_store %arg12[%swap3A_163, %swap3A_164], %bitcast3A_162 {strides = array<i32>} : memref<80x128xf32, #tpu.memory_space<vmem>>, vector<16xf32>,
        %and3A_166 = arith.constant -65536 : i32
        %and3A_167 = vector.broadcast %and3A_166 : i32 to vector<16xi32>
        %and3A_168 = arith.andi %get3A_158, %and3A_167 : vector<16xi32>
        %bitcast3A_169 = vector.bitcast %and3A_168 : vector<16xi32> to vector<16xf32>
        %swap3A_170 = arith.index_cast %scan3A_143 : i32 to index
        %swap3A_171 = arith.constant 48 : index
        %swap3A_172 = tpu.vector_load %arg12[%swap3A_170, %swap3A_171] {strides = array<i32>} : memref<80x128xf32, #tpu.memory_space<vmem>>, vector<16xf32>,
        tpu.vector_store %arg12[%swap3A_170, %swap3A_171], %bitcast3A_169 {strides = array<i32>} : memref<80x128xf32, #tpu.memory_space<vmem>>, vector<16xf32>,
        %get3A_173 = arith.index_cast %scan3A_143 : i32 to index
        %get3A_174 = arith.constant 32 : index
        %get3A_175 = tpu.vector_load %arg10[%get3A_173, %get3A_174] {strides = array<i32>} : memref<80x64xi32, #tpu.memory_space<vmem>>, vector<16xi32>,
        %shift_left3A_176 = arith.constant 16 : i32
        %shift_left3A_177 = vector.broadcast %shift_left3A_176 : i32 to vector<16xi32>
        %shift_left3A_178 = arith.shli %get3A_175, %shift_left3A_177 : vector<16xi32>
        %bitcast3A_179 = vector.bitcast %shift_left3A_178 : vector<16xi32> to vector<16xf32>
        %swap3A_180 = arith.index_cast %scan3A_143 : i32 to index
        %swap3A_181 = arith.constant 64 : index
        %swap3A_182 = tpu.vector_load %arg12[%swap3A_180, %swap3A_181] {strides = array<i32>} : memref<80x128xf32, #tpu.memory_space<vmem>>, vector<16xf32>,
        tpu.vector_store %arg12[%swap3A_180, %swap3A_181], %bitcast3A_179 {strides = array<i32>} : memref<80x128xf32, #tpu.memory_space<vmem>>, vector<16xf32>,
        %and3A_183 = arith.constant -65536 : i32
        %and3A_184 = vector.broadcast %and3A_183 : i32 to vector<16xi32>
        %and3A_185 = arith.andi %get3A_175, %and3A_184 : vector<16xi32>
        %bitcast3A_186 = vector.bitcast %and3A_185 : vector<16xi32> to vector<16xf32>
        %swap3A_187 = arith.index_cast %scan3A_143 : i32 to index
        %swap3A_188 = arith.constant 80 : index
        %swap3A_189 = tpu.vector_load %arg12[%swap3A_187, %swap3A_188] {strides = array<i32>} : memref<80x128xf32, #tpu.memory_space<vmem>>, vector<16xf32>,
        tpu.vector_store %arg12[%swap3A_187, %swap3A_188], %bitcast3A_186 {strides = array<i32>} : memref<80x128xf32, #tpu.memory_space<vmem>>, vector<16xf32>,
        %get3A_190 = arith.index_cast %scan3A_143 : i32 to index
        %get3A_191 = arith.constant 48 : index
        %get3A_192 = tpu.vector_load %arg10[%get3A_190, %get3A_191] {strides = array<i32>} : memref<80x64xi32, #tpu.memory_space<vmem>>, vector<16xi32>,
        %shift_left3A_193 = arith.constant 16 : i32
        %shift_left3A_194 = vector.broadcast %shift_left3A_193 : i32 to vector<16xi32>
        %shift_left3A_195 = arith.shli %get3A_192, %shift_left3A_194 : vector<16xi32>
        %bitcast3A_196 = vector.bitcast %shift_left3A_195 : vector<16xi32> to vector<16xf32>
        %swap3A_197 = arith.index_cast %scan3A_143 : i32 to index
        %swap3A_198 = arith.constant 96 : index
        %swap3A_199 = tpu.vector_load %arg12[%swap3A_197, %swap3A_198] {strides = array<i32>} : memref<80x128xf32, #tpu.memory_space<vmem>>, vector<16xf32>,
        tpu.vector_store %arg12[%swap3A_197, %swap3A_198], %bitcast3A_196 {strides = array<i32>} : memref<80x128xf32, #tpu.memory_space<vmem>>, vector<16xf32>,
        %and3A_200 = arith.constant -65536 : i32
        %and3A_201 = vector.broadcast %and3A_200 : i32 to vector<16xi32>
        %and3A_202 = arith.andi %get3A_192, %and3A_201 : vector<16xi32>
        %bitcast3A_203 = vector.bitcast %and3A_202 : vector<16xi32> to vector<16xf32>
        %swap3A_204 = arith.index_cast %scan3A_143 : i32 to index
        %swap3A_205 = arith.constant 112 : index
        %swap3A_206 = tpu.vector_load %arg12[%swap3A_204, %swap3A_205] {strides = array<i32>} : memref<80x128xf32, #tpu.memory_space<vmem>>, vector<16xf32>,
        tpu.vector_store %arg12[%swap3A_204, %swap3A_205], %bitcast3A_203 {strides = array<i32>} : memref<80x128xf32, #tpu.memory_space<vmem>>, vector<16xf32>,
      }
      %scan3A_128 = arith.constant 80 : i32
      %dma_start3A_129 = arith.constant 0 : i32
      %dma_start3A_130 = arith.constant 0 : i32
      %dma_start3A_131 = tpu.memref_slice %arg8[%dma_start3A_129, %add3A_110, %dma_start3A_130] : memref<1x125x80xi32, #tpu.memory_space<vmem>> -> memref<1x1x80xi32, #tpu.memory_space<vmem>>
      %dma_start3A_132 = tpu.memref_squeeze %dma_start3A_131 : memref<1x1x80xi32, #tpu.memory_space<vmem>> -> memref<80xi32, #tpu.memory_space<vmem>>
      %dma_start3A_133 = arith.constant 0 : i32
      %dma_start3A_134 = arith.constant 0 : i32
      %dma_start3A_135 = tpu.memref_slice %arg13[%dma_start3A_133, %dma_start3A_134] : memref<10000x128xf32, #tpu.memory_space<vmem_shared>> -> memref<10000x128xf32, #tpu.memory_space<vmem_shared>>
      tpu.enqueue_indirect_dma source(%arg12 : memref<80x128xf32, #tpu.memory_space<vmem>>) target(%dma_start3A_135 : memref<10000x128xf32, #tpu.memory_space<vmem_shared>>) offsets(%dma_start3A_132 : memref<80xi32, #tpu.memory_space<vmem>>) semaphore(%arg17 : memref<!tpu.dma_semaphore, #tpu.memory_space<semaphore_mem>>) {add = true}
      %add3A_136 = arith.constant 2 : i32
      %add3A_137 = arith.addi %add3A_110, %add3A_136 : i32
      %lt3A_138 = arith.constant 125 : i32
      %lt3A_139 = arith.cmpi slt, %add3A_137, %lt3A_138 : i32
      %convert_element_type3A_140 = arith.extui %lt3A_139 : i1 to i32
      %cond3A_141 = arith.constant 0 : i32
      %cond3A_142 = arith.cmpi ne, %convert_element_type3A_140, %cond3A_141 : i32
      scf.if %cond3A_142 {
        %add3A_143 = arith.constant 2 : i32
        %add3A_144 = arith.addi %add3A_110, %add3A_143 : i32
        %dma_start3A_145 = arith.constant 0 : i32
        %dma_start3A_146 = arith.constant 0 : i32
        %dma_start3A_147 = tpu.memref_slice %arg7[%dma_start3A_145, %add3A_144, %dma_start3A_146] : memref<1x125x80xi32, #tpu.memory_space<vmem>> -> memref<1x1x80xi32, #tpu.memory_space<vmem>>
        %dma_start3A_148 = tpu.memref_squeeze %dma_start3A_147 : memref<1x1x80xi32, #tpu.memory_space<vmem>> -> memref<80xi32, #tpu.memory_space<vmem>>
        %dma_start3A_149 = arith.constant 0 : i32
        %dma_start3A_150 = arith.constant 0 : i32
        %dma_start3A_151 = tpu.memref_slice %arg2[%dma_start3A_149, %dma_start3A_150] : memref<10000x64xi32, #tpu.memory_space<hbm>> -> memref<10000x64xi32, #tpu.memory_space<hbm>>
        tpu.enqueue_indirect_dma source(%dma_start3A_151 : memref<10000x64xi32, #tpu.memory_space<hbm>>) target(%arg10 : memref<80x64xi32, #tpu.memory_space<vmem>>) offsets(%dma_start3A_148 : memref<80xi32, #tpu.memory_space<vmem>>) semaphore(%arg15 : memref<!tpu.dma_semaphore, #tpu.memory_space<semaphore_mem>>)
      } else {
      }
    }
    %scan3A_22 = arith.constant 62 : i32
    %dma_wait3A = arith.constant 0 : i32
    %dma_wait3A_23 = arith.constant 124 : i32
    %dma_wait3A_24 = arith.constant 0 : i32
    %dma_wait3A_25 = tpu.memref_slice %arg7[%dma_wait3A, %dma_wait3A_23, %dma_wait3A_24] : memref<1x125x80xi32, #tpu.memory_space<vmem>> -> memref<1x1x80xi32, #tpu.memory_space<vmem>>
    %dma_wait3A_26 = tpu.memref_squeeze %dma_wait3A_25 : memref<1x1x80xi32, #tpu.memory_space<vmem>> -> memref<80xi32, #tpu.memory_space<vmem>>
    %dma_wait3A_27 = arith.constant 0 : i32
    %dma_wait3A_28 = arith.constant 0 : i32
    %dma_wait3A_29 = tpu.memref_slice %arg2[%dma_wait3A_27, %dma_wait3A_28] : memref<10000x64xi32, #tpu.memory_space<hbm>> -> memref<10000x64xi32, #tpu.memory_space<hbm>>
    tpu.wait_indirect_dma semaphore(%arg14 : memref<!tpu.dma_semaphore, #tpu.memory_space<semaphore_mem>>) src(%dma_wait3A_29 : memref<10000x64xi32, #tpu.memory_space<hbm>>) dst(%arg9 : memref<80x64xi32, #tpu.memory_space<vmem>>)
    %dma_wait3A_30 = arith.constant 0 : i32
    %dma_wait3A_31 = arith.constant 0 : i32
    %dma_wait3A_32 = arith.constant 0 : i32
    %dma_wait3A_33 = tpu.memref_slice %arg8[%dma_wait3A_30, %dma_wait3A_31, %dma_wait3A_32] : memref<1x125x80xi32, #tpu.memory_space<vmem>> -> memref<1x1x80xi32, #tpu.memory_space<vmem>>
    %dma_wait3A_34 = tpu.memref_squeeze %dma_wait3A_33 : memref<1x1x80xi32, #tpu.memory_space<vmem>> -> memref<80xi32, #tpu.memory_space<vmem>>
    %dma_wait3A_35 = arith.constant 0 : i32
    %dma_wait3A_36 = arith.constant 0 : i32
    %dma_wait3A_37 = tpu.memref_slice %arg13[%dma_wait3A_35, %dma_wait3A_36] : memref<10000x128xf32, #tpu.memory_space<vmem_shared>> -> memref<10000x128xf32, #tpu.memory_space<vmem_shared>>
    tpu.wait_indirect_dma semaphore(%arg16 : memref<!tpu.dma_semaphore, #tpu.memory_space<semaphore_mem>>) src(%arg11 : memref<80x128xf32, #tpu.memory_space<vmem>>) dst(%dma_wait3A_37 : memref<10000x128xf32, #tpu.memory_space<vmem_shared>>)
    %scan3A_38 = arith.constant 0 : i32
    %scan3A_39 = arith.constant 0 : i32
    %scan3A_40 = arith.constant 80 : i32
    %scan3A_41 = arith.addi %scan3A_39, %scan3A_40 : i32
    %scan3A_42 = arith.constant 1 : i32
    scf.for %scan3A_73 = %scan3A_39 to %scan3A_41 step %scan3A_42  : i32 {
      %get3A = arith.index_cast %scan3A_73 : i32 to index
      %get3A_74 = arith.constant 0 : index
      %get3A_75 = tpu.vector_load %arg9[%get3A, %get3A_74] {strides = array<i32>} : memref<80x64xi32, #tpu.memory_space<vmem>>, vector<16xi32>,
      %shift_left3A = arith.constant 16 : i32
      %shift_left3A_76 = vector.broadcast %shift_left3A : i32 to vector<16xi32>
      %shift_left3A_77 = arith.shli %get3A_75, %shift_left3A_76 : vector<16xi32>
      %bitcast3A = vector.bitcast %shift_left3A_77 : vector<16xi32> to vector<16xf32>
      %swap3A = arith.index_cast %scan3A_73 : i32 to index
      %swap3A_78 = arith.constant 0 : index
      %swap3A_79 = tpu.vector_load %arg11[%swap3A, %swap3A_78] {strides = array<i32>} : memref<80x128xf32, #tpu.memory_space<vmem>>, vector<16xf32>,
      tpu.vector_store %arg11[%swap3A, %swap3A_78], %bitcast3A {strides = array<i32>} : memref<80x128xf32, #tpu.memory_space<vmem>>, vector<16xf32>,
      %and3A = arith.constant -65536 : i32
      %and3A_80 = vector.broadcast %and3A : i32 to vector<16xi32>
      %and3A_81 = arith.andi %get3A_75, %and3A_80 : vector<16xi32>
      %bitcast3A_82 = vector.bitcast %and3A_81 : vector<16xi32> to vector<16xf32>
      %swap3A_83 = arith.index_cast %scan3A_73 : i32 to index
      %swap3A_84 = arith.constant 16 : index
      %swap3A_85 = tpu.vector_load %arg11[%swap3A_83, %swap3A_84] {strides = array<i32>} : memref<80x128xf32, #tpu.memory_space<vmem>>, vector<16xf32>,
      tpu.vector_store %arg11[%swap3A_83, %swap3A_84], %bitcast3A_82 {strides = array<i32>} : memref<80x128xf32, #tpu.memory_space<vmem>>, vector<16xf32>,
      %get3A_86 = arith.index_cast %scan3A_73 : i32 to index
      %get3A_87 = arith.constant 16 : index
      %get3A_88 = tpu.vector_load %arg9[%get3A_86, %get3A_87] {strides = array<i32>} : memref<80x64xi32, #tpu.memory_space<vmem>>, vector<16xi32>,
      %shift_left3A_89 = arith.constant 16 : i32
      %shift_left3A_90 = vector.broadcast %shift_left3A_89 : i32 to vector<16xi32>
      %shift_left3A_91 = arith.shli %get3A_88, %shift_left3A_90 : vector<16xi32>
      %bitcast3A_92 = vector.bitcast %shift_left3A_91 : vector<16xi32> to vector<16xf32>
      %swap3A_93 = arith.index_cast %scan3A_73 : i32 to index
      %swap3A_94 = arith.constant 32 : index
      %swap3A_95 = tpu.vector_load %arg11[%swap3A_93, %swap3A_94] {strides = array<i32>} : memref<80x128xf32, #tpu.memory_space<vmem>>, vector<16xf32>,
      tpu.vector_store %arg11[%swap3A_93, %swap3A_94], %bitcast3A_92 {strides = array<i32>} : memref<80x128xf32, #tpu.memory_space<vmem>>, vector<16xf32>,
      %and3A_96 = arith.constant -65536 : i32
      %and3A_97 = vector.broadcast %and3A_96 : i32 to vector<16xi32>
      %and3A_98 = arith.andi %get3A_88, %and3A_97 : vector<16xi32>
      %bitcast3A_99 = vector.bitcast %and3A_98 : vector<16xi32> to vector<16xf32>
      %swap3A_100 = arith.index_cast %scan3A_73 : i32 to index
      %swap3A_101 = arith.constant 48 : index
      %swap3A_102 = tpu.vector_load %arg11[%swap3A_100, %swap3A_101] {strides = array<i32>} : memref<80x128xf32, #tpu.memory_space<vmem>>, vector<16xf32>,
      tpu.vector_store %arg11[%swap3A_100, %swap3A_101], %bitcast3A_99 {strides = array<i32>} : memref<80x128xf32, #tpu.memory_space<vmem>>, vector<16xf32>,
      %get3A_103 = arith.index_cast %scan3A_73 : i32 to index
      %get3A_104 = arith.constant 32 : index
      %get3A_105 = tpu.vector_load %arg9[%get3A_103, %get3A_104] {strides = array<i32>} : memref<80x64xi32, #tpu.memory_space<vmem>>, vector<16xi32>,
      %shift_left3A_106 = arith.constant 16 : i32
      %shift_left3A_107 = vector.broadcast %shift_left3A_106 : i32 to vector<16xi32>
      %shift_left3A_108 = arith.shli %get3A_105, %shift_left3A_107 : vector<16xi32>
      %bitcast3A_109 = vector.bitcast %shift_left3A_108 : vector<16xi32> to vector<16xf32>
      %swap3A_110 = arith.index_cast %scan3A_73 : i32 to index
      %swap3A_111 = arith.constant 64 : index
      %swap3A_112 = tpu.vector_load %arg11[%swap3A_110, %swap3A_111] {strides = array<i32>} : memref<80x128xf32, #tpu.memory_space<vmem>>, vector<16xf32>,
      tpu.vector_store %arg11[%swap3A_110, %swap3A_111], %bitcast3A_109 {strides = array<i32>} : memref<80x128xf32, #tpu.memory_space<vmem>>, vector<16xf32>,
      %and3A_113 = arith.constant -65536 : i32
      %and3A_114 = vector.broadcast %and3A_113 : i32 to vector<16xi32>
      %and3A_115 = arith.andi %get3A_105, %and3A_114 : vector<16xi32>
      %bitcast3A_116 = vector.bitcast %and3A_115 : vector<16xi32> to vector<16xf32>
      %swap3A_117 = arith.index_cast %scan3A_73 : i32 to index
      %swap3A_118 = arith.constant 80 : index
      %swap3A_119 = tpu.vector_load %arg11[%swap3A_117, %swap3A_118] {strides = array<i32>} : memref<80x128xf32, #tpu.memory_space<vmem>>, vector<16xf32>,
      tpu.vector_store %arg11[%swap3A_117, %swap3A_118], %bitcast3A_116 {strides = array<i32>} : memref<80x128xf32, #tpu.memory_space<vmem>>, vector<16xf32>,
      %get3A_120 = arith.index_cast %scan3A_73 : i32 to index
      %get3A_121 = arith.constant 48 : index
      %get3A_122 = tpu.vector_load %arg9[%get3A_120, %get3A_121] {strides = array<i32>} : memref<80x64xi32, #tpu.memory_space<vmem>>, vector<16xi32>,
      %shift_left3A_123 = arith.constant 16 : i32
      %shift_left3A_124 = vector.broadcast %shift_left3A_123 : i32 to vector<16xi32>
      %shift_left3A_125 = arith.shli %get3A_122, %shift_left3A_124 : vector<16xi32>
      %bitcast3A_126 = vector.bitcast %shift_left3A_125 : vector<16xi32> to vector<16xf32>
      %swap3A_127 = arith.index_cast %scan3A_73 : i32 to index
      %swap3A_128 = arith.constant 96 : index
      %swap3A_129 = tpu.vector_load %arg11[%swap3A_127, %swap3A_128] {strides = array<i32>} : memref<80x128xf32, #tpu.memory_space<vmem>>, vector<16xf32>,
      tpu.vector_store %arg11[%swap3A_127, %swap3A_128], %bitcast3A_126 {strides = array<i32>} : memref<80x128xf32, #tpu.memory_space<vmem>>, vector<16xf32>,
      %and3A_130 = arith.constant -65536 : i32
      %and3A_131 = vector.broadcast %and3A_130 : i32 to vector<16xi32>
      %and3A_132 = arith.andi %get3A_122, %and3A_131 : vector<16xi32>
      %bitcast3A_133 = vector.bitcast %and3A_132 : vector<16xi32> to vector<16xf32>
      %swap3A_134 = arith.index_cast %scan3A_73 : i32 to index
      %swap3A_135 = arith.constant 112 : index
      %swap3A_136 = tpu.vector_load %arg11[%swap3A_134, %swap3A_135] {strides = array<i32>} : memref<80x128xf32, #tpu.memory_space<vmem>>, vector<16xf32>,
      tpu.vector_store %arg11[%swap3A_134, %swap3A_135], %bitcast3A_133 {strides = array<i32>} : memref<80x128xf32, #tpu.memory_space<vmem>>, vector<16xf32>,
    }
    %scan3A_43 = arith.constant 80 : i32
    %dma_start3A_44 = arith.constant 0 : i32
    %dma_start3A_45 = arith.constant 124 : i32
    %dma_start3A_46 = arith.constant 0 : i32
    %dma_start3A_47 = tpu.memref_slice %arg8[%dma_start3A_44, %dma_start3A_45, %dma_start3A_46] : memref<1x125x80xi32, #tpu.memory_space<vmem>> -> memref<1x1x80xi32, #tpu.memory_space<vmem>>
    %dma_start3A_48 = tpu.memref_squeeze %dma_start3A_47 : memref<1x1x80xi32, #tpu.memory_space<vmem>> -> memref<80xi32, #tpu.memory_space<vmem>>
    %dma_start3A_49 = arith.constant 0 : i32
    %dma_start3A_50 = arith.constant 0 : i32
    %dma_start3A_51 = tpu.memref_slice %arg13[%dma_start3A_49, %dma_start3A_50] : memref<10000x128xf32, #tpu.memory_space<vmem_shared>> -> memref<10000x128xf32, #tpu.memory_space<vmem_shared>>
    tpu.enqueue_indirect_dma source(%arg11 : memref<80x128xf32, #tpu.memory_space<vmem>>) target(%dma_start3A_51 : memref<10000x128xf32, #tpu.memory_space<vmem_shared>>) offsets(%dma_start3A_48 : memref<80xi32, #tpu.memory_space<vmem>>) semaphore(%arg16 : memref<!tpu.dma_semaphore, #tpu.memory_space<semaphore_mem>>) {add = true}
    %dma_wait3A_52 = arith.constant 0 : i32
    %dma_wait3A_53 = arith.constant 0 : i32
    %dma_wait3A_54 = arith.constant 0 : i32
    %dma_wait3A_55 = tpu.memref_slice %arg8[%dma_wait3A_52, %dma_wait3A_53, %dma_wait3A_54] : memref<1x125x80xi32, #tpu.memory_space<vmem>> -> memref<1x1x80xi32, #tpu.memory_space<vmem>>
    %dma_wait3A_56 = tpu.memref_squeeze %dma_wait3A_55 : memref<1x1x80xi32, #tpu.memory_space<vmem>> -> memref<80xi32, #tpu.memory_space<vmem>>
    %dma_wait3A_57 = arith.constant 0 : i32
    %dma_wait3A_58 = arith.constant 0 : i32
    %dma_wait3A_59 = tpu.memref_slice %arg13[%dma_wait3A_57, %dma_wait3A_58] : memref<10000x128xf32, #tpu.memory_space<vmem_shared>> -> memref<10000x128xf32, #tpu.memory_space<vmem_shared>>
    tpu.wait_indirect_dma semaphore(%arg16 : memref<!tpu.dma_semaphore, #tpu.memory_space<semaphore_mem>>) src(%arg11 : memref<80x128xf32, #tpu.memory_space<vmem>>) dst(%dma_wait3A_59 : memref<10000x128xf32, #tpu.memory_space<vmem_shared>>)
    %dma_wait3A_60 = arith.constant 0 : i32
    %dma_wait3A_61 = arith.constant 0 : i32
    %dma_wait3A_62 = arith.constant 0 : i32
    %dma_wait3A_63 = tpu.memref_slice %arg8[%dma_wait3A_60, %dma_wait3A_61, %dma_wait3A_62] : memref<1x125x80xi32, #tpu.memory_space<vmem>> -> memref<1x1x80xi32, #tpu.memory_space<vmem>>
    %dma_wait3A_64 = tpu.memref_squeeze %dma_wait3A_63 : memref<1x1x80xi32, #tpu.memory_space<vmem>> -> memref<80xi32, #tpu.memory_space<vmem>>
    %dma_wait3A_65 = arith.constant 0 : i32
    %dma_wait3A_66 = arith.constant 0 : i32
    %dma_wait3A_67 = tpu.memref_slice %arg13[%dma_wait3A_65, %dma_wait3A_66] : memref<10000x128xf32, #tpu.memory_space<vmem_shared>> -> memref<10000x128xf32, #tpu.memory_space<vmem_shared>>
    tpu.wait_indirect_dma semaphore(%arg17 : memref<!tpu.dma_semaphore, #tpu.memory_space<semaphore_mem>>) src(%arg12 : memref<80x128xf32, #tpu.memory_space<vmem>>) dst(%dma_wait3A_67 : memref<10000x128xf32, #tpu.memory_space<vmem_shared>>)
    %barrier3A_68 = arith.constant 0 : index
    tpu.barrier barrier_id(%barrier3A_68)
    %lt3A = arith.constant 10 : i32
    %lt3A_69 = arith.cmpi slt, %arg1, %lt3A : i32
    %convert_element_type3A_70 = arith.extui %lt3A_69 : i1 to i32
    %cond3A_71 = arith.constant 0 : i32
    %cond3A_72 = arith.cmpi ne, %convert_element_type3A_70, %cond3A_71 : i32
    scf.if %cond3A_72 {
      %mul3A_73 = arith.constant 1000 : i32
      %mul3A_74 = arith.muli %arg1, %mul3A_73 : i32
      %mul3A_75 = arith.constant 10000 : i32
      %mul3A_76 = arith.muli %arg0, %mul3A_75 : i32
      %add3A_77 = arith.addi %mul3A_76, %mul3A_74 : i32
      "tpu.region"() ({
        %run_scoped3A = tpu.sem_alloc : memref<!tpu.dma_semaphore, #tpu.memory_space<semaphore_mem>>
        %dma_start3A_78 = arith.constant 0 : i32
        %dma_start3A_79 = tpu.memref_slice %arg6[%add3A_77, %dma_start3A_78] : memref<20000x128xf32, #tpu.memory_space<hbm>> -> memref<1000x128xf32, #tpu.memory_space<hbm>>
        %dma_start3A_80 = arith.constant 0 : i32
        %dma_start3A_81 = tpu.memref_slice %arg13[%mul3A_74, %dma_start3A_80] : memref<10000x128xf32, #tpu.memory_space<vmem_shared>> -> memref<1000x128xf32, #tpu.memory_space<vmem_shared>>
        tpu.enqueue_dma source(%dma_start3A_81 : memref<1000x128xf32, #tpu.memory_space<vmem_shared>>) target(%dma_start3A_79 : memref<1000x128xf32, #tpu.memory_space<hbm>>) target_semaphore(%run_scoped3A : memref<!tpu.dma_semaphore, #tpu.memory_space<semaphore_mem>>)
        %dma_wait3A_82 = arith.constant 0 : i32
        %dma_wait3A_83 = tpu.memref_slice %arg6[%add3A_77, %dma_wait3A_82] : memref<20000x128xf32, #tpu.memory_space<hbm>> -> memref<1000x128xf32, #tpu.memory_space<hbm>>
        %dma_wait3A_84 = arith.constant 0 : i32
        %dma_wait3A_85 = tpu.memref_slice %arg13[%mul3A_74, %dma_wait3A_84] : memref<10000x128xf32, #tpu.memory_space<vmem_shared>> -> memref<1000x128xf32, #tpu.memory_space<vmem_shared>>
        tpu.wait_dma2 semaphore(%run_scoped3A : memref<!tpu.dma_semaphore, #tpu.memory_space<semaphore_mem>>) src(%dma_wait3A_85 : memref<1000x128xf32, #tpu.memory_space<vmem_shared>>) dst(%dma_wait3A_83 : memref<1000x128xf32, #tpu.memory_space<hbm>>)
        tpu.yield
      }) : () -> ()
    } else {
    }
    return
  }
}

#map = affine_map<(d0, d1) -> (0, 0)>
#map1 = affine_map<(d0, d1) -> (0, 0, 0)>
module attributes {stable_mosaic.version = 14 : i64} {
  func.func @run(%arg0: i32, %arg1: i32, %arg2: memref<10000x64xi32, #tpu.memory_space<hbm>>, %arg3: memref<32x125x80xi32, #tpu.memory_space<hbm>>, %arg4: memref<32x125x80xi32, #tpu.memory_space<hbm>>, %arg5: memref<10000x128xf32, #tpu.memory_space<hbm>>, %arg6: memref<20000x128xf32, #tpu.memory_space<hbm>>, %arg7: memref<1x125x80xi32, #tpu.memory_space<vmem>>, %arg8: memref<1x125x80xi32, #tpu.memory_space<vmem>>, %arg9: memref<80x64xi32, #tpu.memory_space<vmem>>, %arg10: memref<80x64xi32, #tpu.memory_space<vmem>>, %arg11: memref<80x128xf32, #tpu.memory_space<vmem>>, %arg12: memref<80x128xf32, #tpu.memory_space<vmem>>, %arg13: memref<10000x128xf32, #tpu.memory_space<vmem_shared>>, %arg14: memref<!tpu.dma_semaphore, #tpu.memory_space<semaphore_mem>>, %arg15: memref<!tpu.dma_semaphore, #tpu.memory_space<semaphore_mem>>, %arg16: memref<!tpu.dma_semaphore, #tpu.memory_space<semaphore_mem>>, %arg17: memref<!tpu.dma_semaphore, #tpu.memory_space<semaphore_mem>>) attributes {dimension_semantics = [#tpu.dimension_semantics<core_parallel>, #tpu.dimension_semantics<subcore_parallel>], iteration_bounds = array<i64: 2, 16>, scalar_prefetch = 0 : i64, scratch_operands = 11 : i64, tpu.core_type = #tpu.core_type<sc_vector_subcore>, window_params = [{transform_indices = #map}, {transform_indices = #map1}, {transform_indices = #map1}, {transform_indices = #map}, {transform_indices = #map}]} {
    %eq3A = arith.constant 0 : i32
    %eq3A_0 = arith.cmpi eq, %arg1, %eq3A : i32
    %convert_element_type3A = arith.extui %eq3A_0 : i1 to i32
    %cond3A = arith.constant 0 : i32
    %cond3A_1 = arith.cmpi ne, %convert_element_type3A, %cond3A : i32
    scf.if %cond3A_1 {
      "tpu.region"() ({
        %run_scoped3A = tpu.sem_alloc : memref<!tpu.dma_semaphore, #tpu.memory_space<semaphore_mem>>
        tpu.enqueue_dma source(%arg5 : memref<10000x128xf32, #tpu.memory_space<hbm>>) target(%arg13 : memref<10000x128xf32, #tpu.memory_space<vmem_shared>>) target_semaphore(%run_scoped3A : memref<!tpu.dma_semaphore, #tpu.memory_space<semaphore_mem>>)
        tpu.wait_dma2 semaphore(%run_scoped3A : memref<!tpu.dma_semaphore, #tpu.memory_space<semaphore_mem>>) src(%arg5 : memref<10000x128xf32, #tpu.memory_space<hbm>>) dst(%arg13 : memref<10000x128xf32, #tpu.memory_space<vmem_shared>>)
        tpu.yield
      }) : () -> ()
    } else {
    }
    %mul3A = arith.constant 16 : i32
    %mul3A_2 = arith.muli %arg0, %mul3A : i32
    %add3A = arith.addi %mul3A_2, %arg1 : i32
    "tpu.region"() ({
      %run_scoped3A = tpu.sem_alloc : memref<!tpu.dma_semaphore, #tpu.memory_space<semaphore_mem>>
      %dma_start3A_73 = arith.constant 0 : i32
      %dma_start3A_74 = arith.constant 0 : i32
      %dma_start3A_75 = tpu.memref_slice %arg3[%add3A, %dma_start3A_73, %dma_start3A_74] : memref<32x125x80xi32, #tpu.memory_space<hbm>> -> memref<1x125x80xi32, #tpu.memory_space<hbm>>
      %dma_start3A_76 = arith.constant 0 : i32
      %dma_start3A_77 = arith.constant 0 : i32
      %dma_start3A_78 = tpu.memref_slice %arg3[%add3A, %dma_start3A_76, %dma_start3A_77] : memref<32x125x80xi32, #tpu.memory_space<hbm>> -> memref<1x125x80xi32, #tpu.memory_space<hbm>>
      tpu.enqueue_dma source(%dma_start3A_78 : memref<1x125x80xi32, #tpu.memory_space<hbm>>) target(%arg7 : memref<1x125x80xi32, #tpu.memory_space<vmem>>) target_semaphore(%run_scoped3A : memref<!tpu.dma_semaphore, #tpu.memory_space<semaphore_mem>>)
      %dma_wait3A_79 = arith.constant 0 : i32
      %dma_wait3A_80 = arith.constant 0 : i32
      %dma_wait3A_81 = tpu.memref_slice %arg3[%add3A, %dma_wait3A_79, %dma_wait3A_80] : memref<32x125x80xi32, #tpu.memory_space<hbm>> -> memref<1x125x80xi32, #tpu.memory_space<hbm>>
      %dma_wait3A_82 = arith.constant 0 : i32
      %dma_wait3A_83 = arith.constant 0 : i32
      %dma_wait3A_84 = tpu.memref_slice %arg3[%add3A, %dma_wait3A_82, %dma_wait3A_83] : memref<32x125x80xi32, #tpu.memory_space<hbm>> -> memref<1x125x80xi32, #tpu.memory_space<hbm>>
      tpu.wait_dma2 semaphore(%run_scoped3A : memref<!tpu.dma_semaphore, #tpu.memory_space<semaphore_mem>>) src(%dma_wait3A_84 : memref<1x125x80xi32, #tpu.memory_space<hbm>>) dst(%arg7 : memref<1x125x80xi32, #tpu.memory_space<vmem>>)
      tpu.yield
    }) : () -> ()
    "tpu.region"() ({
      %run_scoped3A = tpu.sem_alloc : memref<!tpu.dma_semaphore, #tpu.memory_space<semaphore_mem>>
      %dma_start3A_73 = arith.constant 0 : i32
      %dma_start3A_74 = arith.constant 0 : i32
      %dma_start3A_75 = tpu.memref_slice %arg4[%add3A, %dma_start3A_73, %dma_start3A_74] : memref<32x125x80xi32, #tpu.memory_space<hbm>> -> memref<1x125x80xi32, #tpu.memory_space<hbm>>
      %dma_start3A_76 = arith.constant 0 : i32
      %dma_start3A_77 = arith.constant 0 : i32
      %dma_start3A_78 = tpu.memref_slice %arg4[%add3A, %dma_start3A_76, %dma_start3A_77] : memref<32x125x80xi32, #tpu.memory_space<hbm>> -> memref<1x125x80xi32, #tpu.memory_space<hbm>>
      tpu.enqueue_dma source(%dma_start3A_78 : memref<1x125x80xi32, #tpu.memory_space<hbm>>) target(%arg8 : memref<1x125x80xi32, #tpu.memory_space<vmem>>) target_semaphore(%run_scoped3A : memref<!tpu.dma_semaphore, #tpu.memory_space<semaphore_mem>>)
      %dma_wait3A_79 = arith.constant 0 : i32
      %dma_wait3A_80 = arith.constant 0 : i32
      %dma_wait3A_81 = tpu.memref_slice %arg4[%add3A, %dma_wait3A_79, %dma_wait3A_80] : memref<32x125x80xi32, #tpu.memory_space<hbm>> -> memref<1x125x80xi32, #tpu.memory_space<hbm>>
      %dma_wait3A_82 = arith.constant 0 : i32
      %dma_wait3A_83 = arith.constant 0 : i32
      %dma_wait3A_84 = tpu.memref_slice %arg4[%add3A, %dma_wait3A_82, %dma_wait3A_83] : memref<32x125x80xi32, #tpu.memory_space<hbm>> -> memref<1x125x80xi32, #tpu.memory_space<hbm>>
      tpu.wait_dma2 semaphore(%run_scoped3A : memref<!tpu.dma_semaphore, #tpu.memory_space<semaphore_mem>>) src(%dma_wait3A_84 : memref<1x125x80xi32, #tpu.memory_space<hbm>>) dst(%arg8 : memref<1x125x80xi32, #tpu.memory_space<vmem>>)
      tpu.yield
    }) : () -> ()
    %barrier3A = arith.constant 0 : index
    tpu.barrier barrier_id(%barrier3A)
    %dma_start3A = arith.constant 0 : i32
    %dma_start3A_3 = arith.constant 0 : i32
    %dma_start3A_4 = arith.constant 0 : i32
    %dma_start3A_5 = tpu.memref_slice %arg7[%dma_start3A, %dma_start3A_3, %dma_start3A_4] : memref<1x125x80xi32, #tpu.memory_space<vmem>> -> memref<1x1x80xi32, #tpu.memory_space<vmem>>
    %dma_start3A_6 = tpu.memref_squeeze %dma_start3A_5 : memref<1x1x80xi32, #tpu.memory_space<vmem>> -> memref<80xi32, #tpu.memory_space<vmem>>
    %dma_start3A_7 = arith.constant 0 : i32
    %dma_start3A_8 = arith.constant 0 : i32
    %dma_start3A_9 = tpu.memref_slice %arg2[%dma_start3A_7, %dma_start3A_8] : memref<10000x64xi32, #tpu.memory_space<hbm>> -> memref<10000x64xi32, #tpu.memory_space<hbm>>
    tpu.enqueue_indirect_dma source(%dma_start3A_9 : memref<10000x64xi32, #tpu.memory_space<hbm>>) target(%arg9 : memref<80x64xi32, #tpu.memory_space<vmem>>) offsets(%dma_start3A_6 : memref<80xi32, #tpu.memory_space<vmem>>) semaphore(%arg14 : memref<!tpu.dma_semaphore, #tpu.memory_space<semaphore_mem>>)
    %dma_start3A_10 = arith.constant 0 : i32
    %dma_start3A_11 = arith.constant 1 : i32
    %dma_start3A_12 = arith.constant 0 : i32
    %dma_start3A_13 = tpu.memref_slice %arg7[%dma_start3A_10, %dma_start3A_11, %dma_start3A_12] : memref<1x125x80xi32, #tpu.memory_space<vmem>> -> memref<1x1x80xi32, #tpu.memory_space<vmem>>
    %dma_start3A_14 = tpu.memref_squeeze %dma_start3A_13 : memref<1x1x80xi32, #tpu.memory_space<vmem>> -> memref<80xi32, #tpu.memory_space<vmem>>
    %dma_start3A_15 = arith.constant 0 : i32
    %dma_start3A_16 = arith.constant 0 : i32
    %dma_start3A_17 = tpu.memref_slice %arg2[%dma_start3A_15, %dma_start3A_16] : memref<10000x64xi32, #tpu.memory_space<hbm>> -> memref<10000x64xi32, #tpu.memory_space<hbm>>
    tpu.enqueue_indirect_dma source(%dma_start3A_17 : memref<10000x64xi32, #tpu.memory_space<hbm>>) target(%arg10 : memref<80x64xi32, #tpu.memory_space<vmem>>) offsets(%dma_start3A_14 : memref<80xi32, #tpu.memory_space<vmem>>) semaphore(%arg15 : memref<!tpu.dma_semaphore, #tpu.memory_space<semaphore_mem>>)
    %scan3A = arith.constant 0 : i32
    %scan3A_18 = arith.constant 0 : i32
    %scan3A_19 = arith.constant 62 : i32
    %scan3A_20 = arith.addi %scan3A_18, %scan3A_19 : i32
    %scan3A_21 = arith.constant 1 : i32
    scf.for %scan3A_73 = %scan3A_18 to %scan3A_20 step %scan3A_21  : i32 {
      %mul3A_74 = arith.constant 2 : i32
      %mul3A_75 = arith.muli %scan3A_73, %mul3A_74 : i32
      %dma_wait3A_76 = arith.constant 0 : i32
      %dma_wait3A_77 = arith.constant 0 : i32
      %dma_wait3A_78 = tpu.memref_slice %arg7[%dma_wait3A_76, %mul3A_75, %dma_wait3A_77] : memref<1x125x80xi32, #tpu.memory_space<vmem>> -> memref<1x1x80xi32, #tpu.memory_space<vmem>>
      %dma_wait3A_79 = tpu.memref_squeeze %dma_wait3A_78 : memref<1x1x80xi32, #tpu.memory_space<vmem>> -> memref<80xi32, #tpu.memory_space<vmem>>
      %dma_wait3A_80 = arith.constant 0 : i32
      %dma_wait3A_81 = arith.constant 0 : i32
      %dma_wait3A_82 = tpu.memref_slice %arg2[%dma_wait3A_80, %dma_wait3A_81] : memref<10000x64xi32, #tpu.memory_space<hbm>> -> memref<10000x64xi32, #tpu.memory_space<hbm>>
      tpu.wait_indirect_dma semaphore(%arg14 : memref<!tpu.dma_semaphore, #tpu.memory_space<semaphore_mem>>) src(%dma_wait3A_82 : memref<10000x64xi32, #tpu.memory_space<hbm>>) dst(%arg9 : memref<80x64xi32, #tpu.memory_space<vmem>>)
      %ge3A = arith.constant 2 : i32
      %ge3A_83 = arith.cmpi sge, %mul3A_75, %ge3A : i32
      %convert_element_type3A_84 = arith.extui %ge3A_83 : i1 to i32
      %cond3A_85 = arith.constant 0 : i32
      %cond3A_86 = arith.cmpi ne, %convert_element_type3A_84, %cond3A_85 : i32
      scf.if %cond3A_86 {
        %dma_wait3A_143 = arith.constant 0 : i32
        %dma_wait3A_144 = arith.constant 0 : i32
        %dma_wait3A_145 = arith.constant 0 : i32
        %dma_wait3A_146 = tpu.memref_slice %arg8[%dma_wait3A_143, %dma_wait3A_144, %dma_wait3A_145] : memref<1x125x80xi32, #tpu.memory_space<vmem>> -> memref<1x1x80xi32, #tpu.memory_space<vmem>>
        %dma_wait3A_147 = tpu.memref_squeeze %dma_wait3A_146 : memref<1x1x80xi32, #tpu.memory_space<vmem>> -> memref<80xi32, #tpu.memory_space<vmem>>
        %dma_wait3A_148 = arith.constant 0 : i32
        %dma_wait3A_149 = arith.constant 0 : i32
        %dma_wait3A_150 = tpu.memref_slice %arg13[%dma_wait3A_148, %dma_wait3A_149] : memref<10000x128xf32, #tpu.memory_space<vmem_shared>> -> memref<10000x128xf32, #tpu.memory_space<vmem_shared>>
        tpu.wait_indirect_dma semaphore(%arg16 : memref<!tpu.dma_semaphore, #tpu.memory_space<semaphore_mem>>) src(%arg11 : memref<80x128xf32, #tpu.memory_space<vmem>>) dst(%dma_wait3A_150 : memref<10000x128xf32, #tpu.memory_space<vmem_shared>>)
      } else {
      }
      %scan3A_87 = arith.constant 0 : i32
      %scan3A_88 = arith.constant 0 : i32
      %scan3A_89 = arith.constant 80 : i32
      %scan3A_90 = arith.addi %scan3A_88, %scan3A_89 : i32
      %scan3A_91 = arith.constant 1 : i32
      scf.for %scan3A_143 = %scan3A_88 to %scan3A_90 step %scan3A_91  : i32 {
        %get3A = arith.index_cast %scan3A_143 : i32 to index
        %get3A_144 = arith.constant 0 : index
        %get3A_145 = tpu.vector_load %arg9[%get3A, %get3A_144] {strides = array<i32>} : memref<80x64xi32, #tpu.memory_space<vmem>>, vector<16xi32>,
        %shift_left3A = arith.constant 16 : i32
        %shift_left3A_146 = vector.broadcast %shift_left3A : i32 to vector<16xi32>
        %shift_left3A_147 = arith.shli %get3A_145, %shift_left3A_146 : vector<16xi32>
        %bitcast3A = vector.bitcast %shift_left3A_147 : vector<16xi32> to vector<16xf32>
        %swap3A = arith.index_cast %scan3A_143 : i32 to index
        %swap3A_148 = arith.constant 0 : index
        %swap3A_149 = tpu.vector_load %arg11[%swap3A, %swap3A_148] {strides = array<i32>} : memref<80x128xf32, #tpu.memory_space<vmem>>, vector<16xf32>,
        tpu.vector_store %arg11[%swap3A, %swap3A_148], %bitcast3A {strides = array<i32>} : memref<80x128xf32, #tpu.memory_space<vmem>>, vector<16xf32>,
        %and3A = arith.constant -65536 : i32
        %and3A_150 = vector.broadcast %and3A : i32 to vector<16xi32>
        %and3A_151 = arith.andi %get3A_145, %and3A_150 : vector<16xi32>
        %bitcast3A_152 = vector.bitcast %and3A_151 : vector<16xi32> to vector<16xf32>
        %swap3A_153 = arith.index_cast %scan3A_143 : i32 to index
        %swap3A_154 = arith.constant 16 : index
        %swap3A_155 = tpu.vector_load %arg11[%swap3A_153, %swap3A_154] {strides = array<i32>} : memref<80x128xf32, #tpu.memory_space<vmem>>, vector<16xf32>,
        tpu.vector_store %arg11[%swap3A_153, %swap3A_154], %bitcast3A_152 {strides = array<i32>} : memref<80x128xf32, #tpu.memory_space<vmem>>, vector<16xf32>,
        %get3A_156 = arith.index_cast %scan3A_143 : i32 to index
        %get3A_157 = arith.constant 16 : index
        %get3A_158 = tpu.vector_load %arg9[%get3A_156, %get3A_157] {strides = array<i32>} : memref<80x64xi32, #tpu.memory_space<vmem>>, vector<16xi32>,
        %shift_left3A_159 = arith.constant 16 : i32
        %shift_left3A_160 = vector.broadcast %shift_left3A_159 : i32 to vector<16xi32>
        %shift_left3A_161 = arith.shli %get3A_158, %shift_left3A_160 : vector<16xi32>
        %bitcast3A_162 = vector.bitcast %shift_left3A_161 : vector<16xi32> to vector<16xf32>
        %swap3A_163 = arith.index_cast %scan3A_143 : i32 to index
        %swap3A_164 = arith.constant 32 : index
        %swap3A_165 = tpu.vector_load %arg11[%swap3A_163, %swap3A_164] {strides = array<i32>} : memref<80x128xf32, #tpu.memory_space<vmem>>, vector<16xf32>,
        tpu.vector_store %arg11[%swap3A_163, %swap3A_164], %bitcast3A_162 {strides = array<i32>} : memref<80x128xf32, #tpu.memory_space<vmem>>, vector<16xf32>,
        %and3A_166 = arith.constant -65536 : i32
        %and3A_167 = vector.broadcast %and3A_166 : i32 to vector<16xi32>
        %and3A_168 = arith.andi %get3A_158, %and3A_167 : vector<16xi32>
        %bitcast3A_169 = vector.bitcast %and3A_168 : vector<16xi32> to vector<16xf32>
        %swap3A_170 = arith.index_cast %scan3A_143 : i32 to index
        %swap3A_171 = arith.constant 48 : index
        %swap3A_172 = tpu.vector_load %arg11[%swap3A_170, %swap3A_171] {strides = array<i32>} : memref<80x128xf32, #tpu.memory_space<vmem>>, vector<16xf32>,
        tpu.vector_store %arg11[%swap3A_170, %swap3A_171], %bitcast3A_169 {strides = array<i32>} : memref<80x128xf32, #tpu.memory_space<vmem>>, vector<16xf32>,
        %get3A_173 = arith.index_cast %scan3A_143 : i32 to index
        %get3A_174 = arith.constant 32 : index
        %get3A_175 = tpu.vector_load %arg9[%get3A_173, %get3A_174] {strides = array<i32>} : memref<80x64xi32, #tpu.memory_space<vmem>>, vector<16xi32>,
        %shift_left3A_176 = arith.constant 16 : i32
        %shift_left3A_177 = vector.broadcast %shift_left3A_176 : i32 to vector<16xi32>
        %shift_left3A_178 = arith.shli %get3A_175, %shift_left3A_177 : vector<16xi32>
        %bitcast3A_179 = vector.bitcast %shift_left3A_178 : vector<16xi32> to vector<16xf32>
        %swap3A_180 = arith.index_cast %scan3A_143 : i32 to index
        %swap3A_181 = arith.constant 64 : index
        %swap3A_182 = tpu.vector_load %arg11[%swap3A_180, %swap3A_181] {strides = array<i32>} : memref<80x128xf32, #tpu.memory_space<vmem>>, vector<16xf32>,
        tpu.vector_store %arg11[%swap3A_180, %swap3A_181], %bitcast3A_179 {strides = array<i32>} : memref<80x128xf32, #tpu.memory_space<vmem>>, vector<16xf32>,
        %and3A_183 = arith.constant -65536 : i32
        %and3A_184 = vector.broadcast %and3A_183 : i32 to vector<16xi32>
        %and3A_185 = arith.andi %get3A_175, %and3A_184 : vector<16xi32>
        %bitcast3A_186 = vector.bitcast %and3A_185 : vector<16xi32> to vector<16xf32>
        %swap3A_187 = arith.index_cast %scan3A_143 : i32 to index
        %swap3A_188 = arith.constant 80 : index
        %swap3A_189 = tpu.vector_load %arg11[%swap3A_187, %swap3A_188] {strides = array<i32>} : memref<80x128xf32, #tpu.memory_space<vmem>>, vector<16xf32>,
        tpu.vector_store %arg11[%swap3A_187, %swap3A_188], %bitcast3A_186 {strides = array<i32>} : memref<80x128xf32, #tpu.memory_space<vmem>>, vector<16xf32>,
        %get3A_190 = arith.index_cast %scan3A_143 : i32 to index
        %get3A_191 = arith.constant 48 : index
        %get3A_192 = tpu.vector_load %arg9[%get3A_190, %get3A_191] {strides = array<i32>} : memref<80x64xi32, #tpu.memory_space<vmem>>, vector<16xi32>,
        %shift_left3A_193 = arith.constant 16 : i32
        %shift_left3A_194 = vector.broadcast %shift_left3A_193 : i32 to vector<16xi32>
        %shift_left3A_195 = arith.shli %get3A_192, %shift_left3A_194 : vector<16xi32>
        %bitcast3A_196 = vector.bitcast %shift_left3A_195 : vector<16xi32> to vector<16xf32>
        %swap3A_197 = arith.index_cast %scan3A_143 : i32 to index
        %swap3A_198 = arith.constant 96 : index
        %swap3A_199 = tpu.vector_load %arg11[%swap3A_197, %swap3A_198] {strides = array<i32>} : memref<80x128xf32, #tpu.memory_space<vmem>>, vector<16xf32>,
        tpu.vector_store %arg11[%swap3A_197, %swap3A_198], %bitcast3A_196 {strides = array<i32>} : memref<80x128xf32, #tpu.memory_space<vmem>>, vector<16xf32>,
        %and3A_200 = arith.constant -65536 : i32
        %and3A_201 = vector.broadcast %and3A_200 : i32 to vector<16xi32>
        %and3A_202 = arith.andi %get3A_192, %and3A_201 : vector<16xi32>
        %bitcast3A_203 = vector.bitcast %and3A_202 : vector<16xi32> to vector<16xf32>
        %swap3A_204 = arith.index_cast %scan3A_143 : i32 to index
        %swap3A_205 = arith.constant 112 : index
        %swap3A_206 = tpu.vector_load %arg11[%swap3A_204, %swap3A_205] {strides = array<i32>} : memref<80x128xf32, #tpu.memory_space<vmem>>, vector<16xf32>,
        tpu.vector_store %arg11[%swap3A_204, %swap3A_205], %bitcast3A_203 {strides = array<i32>} : memref<80x128xf32, #tpu.memory_space<vmem>>, vector<16xf32>,
      }
      %scan3A_92 = arith.constant 80 : i32
      %dma_start3A_93 = arith.constant 0 : i32
      %dma_start3A_94 = arith.constant 0 : i32
      %dma_start3A_95 = tpu.memref_slice %arg8[%dma_start3A_93, %mul3A_75, %dma_start3A_94] : memref<1x125x80xi32, #tpu.memory_space<vmem>> -> memref<1x1x80xi32, #tpu.memory_space<vmem>>
      %dma_start3A_96 = tpu.memref_squeeze %dma_start3A_95 : memref<1x1x80xi32, #tpu.memory_space<vmem>> -> memref<80xi32, #tpu.memory_space<vmem>>
      %dma_start3A_97 = arith.constant 0 : i32
      %dma_start3A_98 = arith.constant 0 : i32
      %dma_start3A_99 = tpu.memref_slice %arg13[%dma_start3A_97, %dma_start3A_98] : memref<10000x128xf32, #tpu.memory_space<vmem_shared>> -> memref<10000x128xf32, #tpu.memory_space<vmem_shared>>
      tpu.enqueue_indirect_dma source(%arg11 : memref<80x128xf32, #tpu.memory_space<vmem>>) target(%dma_start3A_99 : memref<10000x128xf32, #tpu.memory_space<vmem_shared>>) offsets(%dma_start3A_96 : memref<80xi32, #tpu.memory_space<vmem>>) semaphore(%arg16 : memref<!tpu.dma_semaphore, #tpu.memory_space<semaphore_mem>>) {add = true}
      %add3A_100 = arith.constant 2 : i32
      %add3A_101 = arith.addi %mul3A_75, %add3A_100 : i32
      %lt3A_102 = arith.constant 125 : i32
      %lt3A_103 = arith.cmpi slt, %add3A_101, %lt3A_102 : i32
      %convert_element_type3A_104 = arith.extui %lt3A_103 : i1 to i32
      %cond3A_105 = arith.constant 0 : i32
      %cond3A_106 = arith.cmpi ne, %convert_element_type3A_104, %cond3A_105 : i32
      scf.if %cond3A_106 {
        %add3A_143 = arith.constant 2 : i32
        %add3A_144 = arith.addi %mul3A_75, %add3A_143 : i32
        %dma_start3A_145 = arith.constant 0 : i32
        %dma_start3A_146 = arith.constant 0 : i32
        %dma_start3A_147 = tpu.memref_slice %arg7[%dma_start3A_145, %add3A_144, %dma_start3A_146] : memref<1x125x80xi32, #tpu.memory_space<vmem>> -> memref<1x1x80xi32, #tpu.memory_space<vmem>>
        %dma_start3A_148 = tpu.memref_squeeze %dma_start3A_147 : memref<1x1x80xi32, #tpu.memory_space<vmem>> -> memref<80xi32, #tpu.memory_space<vmem>>
        %dma_start3A_149 = arith.constant 0 : i32
        %dma_start3A_150 = arith.constant 0 : i32
        %dma_start3A_151 = tpu.memref_slice %arg2[%dma_start3A_149, %dma_start3A_150] : memref<10000x64xi32, #tpu.memory_space<hbm>> -> memref<10000x64xi32, #tpu.memory_space<hbm>>
        tpu.enqueue_indirect_dma source(%dma_start3A_151 : memref<10000x64xi32, #tpu.memory_space<hbm>>) target(%arg9 : memref<80x64xi32, #tpu.memory_space<vmem>>) offsets(%dma_start3A_148 : memref<80xi32, #tpu.memory_space<vmem>>) semaphore(%arg14 : memref<!tpu.dma_semaphore, #tpu.memory_space<semaphore_mem>>)
      } else {
      }
      %mul3A_107 = arith.constant 2 : i32
      %mul3A_108 = arith.muli %scan3A_73, %mul3A_107 : i32
      %add3A_109 = arith.constant 1 : i32
      %add3A_110 = arith.addi %mul3A_108, %add3A_109 : i32
      %dma_wait3A_111 = arith.constant 0 : i32
      %dma_wait3A_112 = arith.constant 0 : i32
      %dma_wait3A_113 = tpu.memref_slice %arg7[%dma_wait3A_111, %add3A_110, %dma_wait3A_112] : memref<1x125x80xi32, #tpu.memory_space<vmem>> -> memref<1x1x80xi32, #tpu.memory_space<vmem>>
      %dma_wait3A_114 = tpu.memref_squeeze %dma_wait3A_113 : memref<1x1x80xi32, #tpu.memory_space<vmem>> -> memref<80xi32, #tpu.memory_space<vmem>>
      %dma_wait3A_115 = arith.constant 0 : i32
      %dma_wait3A_116 = arith.constant 0 : i32
      %dma_wait3A_117 = tpu.memref_slice %arg2[%dma_wait3A_115, %dma_wait3A_116] : memref<10000x64xi32, #tpu.memory_space<hbm>> -> memref<10000x64xi32, #tpu.memory_space<hbm>>
      tpu.wait_indirect_dma semaphore(%arg15 : memref<!tpu.dma_semaphore, #tpu.memory_space<semaphore_mem>>) src(%dma_wait3A_117 : memref<10000x64xi32, #tpu.memory_space<hbm>>) dst(%arg10 : memref<80x64xi32, #tpu.memory_space<vmem>>)
      %ge3A_118 = arith.constant 2 : i32
      %ge3A_119 = arith.cmpi sge, %add3A_110, %ge3A_118 : i32
      %convert_element_type3A_120 = arith.extui %ge3A_119 : i1 to i32
      %cond3A_121 = arith.constant 0 : i32
      %cond3A_122 = arith.cmpi ne, %convert_element_type3A_120, %cond3A_121 : i32
      scf.if %cond3A_122 {
        %dma_wait3A_143 = arith.constant 0 : i32
        %dma_wait3A_144 = arith.constant 0 : i32
        %dma_wait3A_145 = arith.constant 0 : i32
        %dma_wait3A_146 = tpu.memref_slice %arg8[%dma_wait3A_143, %dma_wait3A_144, %dma_wait3A_145] : memref<1x125x80xi32, #tpu.memory_space<vmem>> -> memref<1x1x80xi32, #tpu.memory_space<vmem>>
        %dma_wait3A_147 = tpu.memref_squeeze %dma_wait3A_146 : memref<1x1x80xi32, #tpu.memory_space<vmem>> -> memref<80xi32, #tpu.memory_space<vmem>>
        %dma_wait3A_148 = arith.constant 0 : i32
        %dma_wait3A_149 = arith.constant 0 : i32
        %dma_wait3A_150 = tpu.memref_slice %arg13[%dma_wait3A_148, %dma_wait3A_149] : memref<10000x128xf32, #tpu.memory_space<vmem_shared>> -> memref<10000x128xf32, #tpu.memory_space<vmem_shared>>
        tpu.wait_indirect_dma semaphore(%arg17 : memref<!tpu.dma_semaphore, #tpu.memory_space<semaphore_mem>>) src(%arg12 : memref<80x128xf32, #tpu.memory_space<vmem>>) dst(%dma_wait3A_150 : memref<10000x128xf32, #tpu.memory_space<vmem_shared>>)
      } else {
      }
      %scan3A_123 = arith.constant 0 : i32
      %scan3A_124 = arith.constant 0 : i32
      %scan3A_125 = arith.constant 80 : i32
      %scan3A_126 = arith.addi %scan3A_124, %scan3A_125 : i32
      %scan3A_127 = arith.constant 1 : i32
      scf.for %scan3A_143 = %scan3A_124 to %scan3A_126 step %scan3A_127  : i32 {
        %get3A = arith.index_cast %scan3A_143 : i32 to index
        %get3A_144 = arith.constant 0 : index
        %get3A_145 = tpu.vector_load %arg10[%get3A, %get3A_144] {strides = array<i32>} : memref<80x64xi32, #tpu.memory_space<vmem>>, vector<16xi32>,
        %shift_left3A = arith.constant 16 : i32
        %shift_left3A_146 = vector.broadcast %shift_left3A : i32 to vector<16xi32>
        %shift_left3A_147 = arith.shli %get3A_145, %shift_left3A_146 : vector<16xi32>
        %bitcast3A = vector.bitcast %shift_left3A_147 : vector<16xi32> to vector<16xf32>
        %swap3A = arith.index_cast %scan3A_143 : i32 to index
        %swap3A_148 = arith.constant 0 : index
        %swap3A_149 = tpu.vector_load %arg12[%swap3A, %swap3A_148] {strides = array<i32>} : memref<80x128xf32, #tpu.memory_space<vmem>>, vector<16xf32>,
        tpu.vector_store %arg12[%swap3A, %swap3A_148], %bitcast3A {strides = array<i32>} : memref<80x128xf32, #tpu.memory_space<vmem>>, vector<16xf32>,
        %and3A = arith.constant -65536 : i32
        %and3A_150 = vector.broadcast %and3A : i32 to vector<16xi32>
        %and3A_151 = arith.andi %get3A_145, %and3A_150 : vector<16xi32>
        %bitcast3A_152 = vector.bitcast %and3A_151 : vector<16xi32> to vector<16xf32>
        %swap3A_153 = arith.index_cast %scan3A_143 : i32 to index
        %swap3A_154 = arith.constant 16 : index
        %swap3A_155 = tpu.vector_load %arg12[%swap3A_153, %swap3A_154] {strides = array<i32>} : memref<80x128xf32, #tpu.memory_space<vmem>>, vector<16xf32>,
        tpu.vector_store %arg12[%swap3A_153, %swap3A_154], %bitcast3A_152 {strides = array<i32>} : memref<80x128xf32, #tpu.memory_space<vmem>>, vector<16xf32>,
        %get3A_156 = arith.index_cast %scan3A_143 : i32 to index
        %get3A_157 = arith.constant 16 : index
        %get3A_158 = tpu.vector_load %arg10[%get3A_156, %get3A_157] {strides = array<i32>} : memref<80x64xi32, #tpu.memory_space<vmem>>, vector<16xi32>,
        %shift_left3A_159 = arith.constant 16 : i32
        %shift_left3A_160 = vector.broadcast %shift_left3A_159 : i32 to vector<16xi32>
        %shift_left3A_161 = arith.shli %get3A_158, %shift_left3A_160 : vector<16xi32>
        %bitcast3A_162 = vector.bitcast %shift_left3A_161 : vector<16xi32> to vector<16xf32>
        %swap3A_163 = arith.index_cast %scan3A_143 : i32 to index
        %swap3A_164 = arith.constant 32 : index
        %swap3A_165 = tpu.vector_load %arg12[%swap3A_163, %swap3A_164] {strides = array<i32>} : memref<80x128xf32, #tpu.memory_space<vmem>>, vector<16xf32>,
        tpu.vector_store %arg12[%swap3A_163, %swap3A_164], %bitcast3A_162 {strides = array<i32>} : memref<80x128xf32, #tpu.memory_space<vmem>>, vector<16xf32>,
        %and3A_166 = arith.constant -65536 : i32
        %and3A_167 = vector.broadcast %and3A_166 : i32 to vector<16xi32>
        %and3A_168 = arith.andi %get3A_158, %and3A_167 : vector<16xi32>
        %bitcast3A_169 = vector.bitcast %and3A_168 : vector<16xi32> to vector<16xf32>
        %swap3A_170 = arith.index_cast %scan3A_143 : i32 to index
        %swap3A_171 = arith.constant 48 : index
        %swap3A_172 = tpu.vector_load %arg12[%swap3A_170, %swap3A_171] {strides = array<i32>} : memref<80x128xf32, #tpu.memory_space<vmem>>, vector<16xf32>,
        tpu.vector_store %arg12[%swap3A_170, %swap3A_171], %bitcast3A_169 {strides = array<i32>} : memref<80x128xf32, #tpu.memory_space<vmem>>, vector<16xf32>,
        %get3A_173 = arith.index_cast %scan3A_143 : i32 to index
        %get3A_174 = arith.constant 32 : index
        %get3A_175 = tpu.vector_load %arg10[%get3A_173, %get3A_174] {strides = array<i32>} : memref<80x64xi32, #tpu.memory_space<vmem>>, vector<16xi32>,
        %shift_left3A_176 = arith.constant 16 : i32
        %shift_left3A_177 = vector.broadcast %shift_left3A_176 : i32 to vector<16xi32>
        %shift_left3A_178 = arith.shli %get3A_175, %shift_left3A_177 : vector<16xi32>
        %bitcast3A_179 = vector.bitcast %shift_left3A_178 : vector<16xi32> to vector<16xf32>
        %swap3A_180 = arith.index_cast %scan3A_143 : i32 to index
        %swap3A_181 = arith.constant 64 : index
        %swap3A_182 = tpu.vector_load %arg12[%swap3A_180, %swap3A_181] {strides = array<i32>} : memref<80x128xf32, #tpu.memory_space<vmem>>, vector<16xf32>,
        tpu.vector_store %arg12[%swap3A_180, %swap3A_181], %bitcast3A_179 {strides = array<i32>} : memref<80x128xf32, #tpu.memory_space<vmem>>, vector<16xf32>,
        %and3A_183 = arith.constant -65536 : i32
        %and3A_184 = vector.broadcast %and3A_183 : i32 to vector<16xi32>
        %and3A_185 = arith.andi %get3A_175, %and3A_184 : vector<16xi32>
        %bitcast3A_186 = vector.bitcast %and3A_185 : vector<16xi32> to vector<16xf32>
        %swap3A_187 = arith.index_cast %scan3A_143 : i32 to index
        %swap3A_188 = arith.constant 80 : index
        %swap3A_189 = tpu.vector_load %arg12[%swap3A_187, %swap3A_188] {strides = array<i32>} : memref<80x128xf32, #tpu.memory_space<vmem>>, vector<16xf32>,
        tpu.vector_store %arg12[%swap3A_187, %swap3A_188], %bitcast3A_186 {strides = array<i32>} : memref<80x128xf32, #tpu.memory_space<vmem>>, vector<16xf32>,
        %get3A_190 = arith.index_cast %scan3A_143 : i32 to index
        %get3A_191 = arith.constant 48 : index
        %get3A_192 = tpu.vector_load %arg10[%get3A_190, %get3A_191] {strides = array<i32>} : memref<80x64xi32, #tpu.memory_space<vmem>>, vector<16xi32>,
        %shift_left3A_193 = arith.constant 16 : i32
        %shift_left3A_194 = vector.broadcast %shift_left3A_193 : i32 to vector<16xi32>
        %shift_left3A_195 = arith.shli %get3A_192, %shift_left3A_194 : vector<16xi32>
        %bitcast3A_196 = vector.bitcast %shift_left3A_195 : vector<16xi32> to vector<16xf32>
        %swap3A_197 = arith.index_cast %scan3A_143 : i32 to index
        %swap3A_198 = arith.constant 96 : index
        %swap3A_199 = tpu.vector_load %arg12[%swap3A_197, %swap3A_198] {strides = array<i32>} : memref<80x128xf32, #tpu.memory_space<vmem>>, vector<16xf32>,
        tpu.vector_store %arg12[%swap3A_197, %swap3A_198], %bitcast3A_196 {strides = array<i32>} : memref<80x128xf32, #tpu.memory_space<vmem>>, vector<16xf32>,
        %and3A_200 = arith.constant -65536 : i32
        %and3A_201 = vector.broadcast %and3A_200 : i32 to vector<16xi32>
        %and3A_202 = arith.andi %get3A_192, %and3A_201 : vector<16xi32>
        %bitcast3A_203 = vector.bitcast %and3A_202 : vector<16xi32> to vector<16xf32>
        %swap3A_204 = arith.index_cast %scan3A_143 : i32 to index
        %swap3A_205 = arith.constant 112 : index
        %swap3A_206 = tpu.vector_load %arg12[%swap3A_204, %swap3A_205] {strides = array<i32>} : memref<80x128xf32, #tpu.memory_space<vmem>>, vector<16xf32>,
        tpu.vector_store %arg12[%swap3A_204, %swap3A_205], %bitcast3A_203 {strides = array<i32>} : memref<80x128xf32, #tpu.memory_space<vmem>>, vector<16xf32>,
      }
      %scan3A_128 = arith.constant 80 : i32
      %dma_start3A_129 = arith.constant 0 : i32
      %dma_start3A_130 = arith.constant 0 : i32
      %dma_start3A_131 = tpu.memref_slice %arg8[%dma_start3A_129, %add3A_110, %dma_start3A_130] : memref<1x125x80xi32, #tpu.memory_space<vmem>> -> memref<1x1x80xi32, #tpu.memory_space<vmem>>
      %dma_start3A_132 = tpu.memref_squeeze %dma_start3A_131 : memref<1x1x80xi32, #tpu.memory_space<vmem>> -> memref<80xi32, #tpu.memory_space<vmem>>
      %dma_start3A_133 = arith.constant 0 : i32
      %dma_start3A_134 = arith.constant 0 : i32
      %dma_start3A_135 = tpu.memref_slice %arg13[%dma_start3A_133, %dma_start3A_134] : memref<10000x128xf32, #tpu.memory_space<vmem_shared>> -> memref<10000x128xf32, #tpu.memory_space<vmem_shared>>
      tpu.enqueue_indirect_dma source(%arg12 : memref<80x128xf32, #tpu.memory_space<vmem>>) target(%dma_start3A_135 : memref<10000x128xf32, #tpu.memory_space<vmem_shared>>) offsets(%dma_start3A_132 : memref<80xi32, #tpu.memory_space<vmem>>) semaphore(%arg17 : memref<!tpu.dma_semaphore, #tpu.memory_space<semaphore_mem>>) {add = true}
      %add3A_136 = arith.constant 2 : i32
      %add3A_137 = arith.addi %add3A_110, %add3A_136 : i32
      %lt3A_138 = arith.constant 125 : i32
      %lt3A_139 = arith.cmpi slt, %add3A_137, %lt3A_138 : i32
      %convert_element_type3A_140 = arith.extui %lt3A_139 : i1 to i32
      %cond3A_141 = arith.constant 0 : i32
      %cond3A_142 = arith.cmpi ne, %convert_element_type3A_140, %cond3A_141 : i32
      scf.if %cond3A_142 {
        %add3A_143 = arith.constant 2 : i32
        %add3A_144 = arith.addi %add3A_110, %add3A_143 : i32
        %dma_start3A_145 = arith.constant 0 : i32
        %dma_start3A_146 = arith.constant 0 : i32
        %dma_start3A_147 = tpu.memref_slice %arg7[%dma_start3A_145, %add3A_144, %dma_start3A_146] : memref<1x125x80xi32, #tpu.memory_space<vmem>> -> memref<1x1x80xi32, #tpu.memory_space<vmem>>
        %dma_start3A_148 = tpu.memref_squeeze %dma_start3A_147 : memref<1x1x80xi32, #tpu.memory_space<vmem>> -> memref<80xi32, #tpu.memory_space<vmem>>
        %dma_start3A_149 = arith.constant 0 : i32
        %dma_start3A_150 = arith.constant 0 : i32
        %dma_start3A_151 = tpu.memref_slice %arg2[%dma_start3A_149, %dma_start3A_150] : memref<10000x64xi32, #tpu.memory_space<hbm>> -> memref<10000x64xi32, #tpu.memory_space<hbm>>
        tpu.enqueue_indirect_dma source(%dma_start3A_151 : memref<10000x64xi32, #tpu.memory_space<hbm>>) target(%arg10 : memref<80x64xi32, #tpu.memory_space<vmem>>) offsets(%dma_start3A_148 : memref<80xi32, #tpu.memory_space<vmem>>) semaphore(%arg15 : memref<!tpu.dma_semaphore, #tpu.memory_space<semaphore_mem>>)
      } else {
      }
    }
    %scan3A_22 = arith.constant 62 : i32
    %dma_wait3A = arith.constant 0 : i32
    %dma_wait3A_23 = arith.constant 124 : i32
    %dma_wait3A_24 = arith.constant 0 : i32
    %dma_wait3A_25 = tpu.memref_slice %arg7[%dma_wait3A, %dma_wait3A_23, %dma_wait3A_24] : memref<1x125x80xi32, #tpu.memory_space<vmem>> -> memref<1x1x80xi32, #tpu.memory_space<vmem>>
    %dma_wait3A_26 = tpu.memref_squeeze %dma_wait3A_25 : memref<1x1x80xi32, #tpu.memory_space<vmem>> -> memref<80xi32, #tpu.memory_space<vmem>>
    %dma_wait3A_27 = arith.constant 0 : i32
    %dma_wait3A_28 = arith.constant 0 : i32
    %dma_wait3A_29 = tpu.memref_slice %arg2[%dma_wait3A_27, %dma_wait3A_28] : memref<10000x64xi32, #tpu.memory_space<hbm>> -> memref<10000x64xi32, #tpu.memory_space<hbm>>
    tpu.wait_indirect_dma semaphore(%arg14 : memref<!tpu.dma_semaphore, #tpu.memory_space<semaphore_mem>>) src(%dma_wait3A_29 : memref<10000x64xi32, #tpu.memory_space<hbm>>) dst(%arg9 : memref<80x64xi32, #tpu.memory_space<vmem>>)
    %dma_wait3A_30 = arith.constant 0 : i32
    %dma_wait3A_31 = arith.constant 0 : i32
    %dma_wait3A_32 = arith.constant 0 : i32
    %dma_wait3A_33 = tpu.memref_slice %arg8[%dma_wait3A_30, %dma_wait3A_31, %dma_wait3A_32] : memref<1x125x80xi32, #tpu.memory_space<vmem>> -> memref<1x1x80xi32, #tpu.memory_space<vmem>>
    %dma_wait3A_34 = tpu.memref_squeeze %dma_wait3A_33 : memref<1x1x80xi32, #tpu.memory_space<vmem>> -> memref<80xi32, #tpu.memory_space<vmem>>
    %dma_wait3A_35 = arith.constant 0 : i32
    %dma_wait3A_36 = arith.constant 0 : i32
    %dma_wait3A_37 = tpu.memref_slice %arg13[%dma_wait3A_35, %dma_wait3A_36] : memref<10000x128xf32, #tpu.memory_space<vmem_shared>> -> memref<10000x128xf32, #tpu.memory_space<vmem_shared>>
    tpu.wait_indirect_dma semaphore(%arg16 : memref<!tpu.dma_semaphore, #tpu.memory_space<semaphore_mem>>) src(%arg11 : memref<80x128xf32, #tpu.memory_space<vmem>>) dst(%dma_wait3A_37 : memref<10000x128xf32, #tpu.memory_space<vmem_shared>>)
    %scan3A_38 = arith.constant 0 : i32
    %scan3A_39 = arith.constant 0 : i32
    %scan3A_40 = arith.constant 80 : i32
    %scan3A_41 = arith.addi %scan3A_39, %scan3A_40 : i32
    %scan3A_42 = arith.constant 1 : i32
    scf.for %scan3A_73 = %scan3A_39 to %scan3A_41 step %scan3A_42  : i32 {
      %get3A = arith.index_cast %scan3A_73 : i32 to index
      %get3A_74 = arith.constant 0 : index
      %get3A_75 = tpu.vector_load %arg9[%get3A, %get3A_74] {strides = array<i32>} : memref<80x64xi32, #tpu.memory_space<vmem>>, vector<16xi32>,
      %shift_left3A = arith.constant 16 : i32
      %shift_left3A_76 = vector.broadcast %shift_left3A : i32 to vector<16xi32>
      %shift_left3A_77 = arith.shli %get3A_75, %shift_left3A_76 : vector<16xi32>
      %bitcast3A = vector.bitcast %shift_left3A_77 : vector<16xi32> to vector<16xf32>
      %swap3A = arith.index_cast %scan3A_73 : i32 to index
      %swap3A_78 = arith.constant 0 : index
      %swap3A_79 = tpu.vector_load %arg11[%swap3A, %swap3A_78] {strides = array<i32>} : memref<80x128xf32, #tpu.memory_space<vmem>>, vector<16xf32>,
      tpu.vector_store %arg11[%swap3A, %swap3A_78], %bitcast3A {strides = array<i32>} : memref<80x128xf32, #tpu.memory_space<vmem>>, vector<16xf32>,
      %and3A = arith.constant -65536 : i32
      %and3A_80 = vector.broadcast %and3A : i32 to vector<16xi32>
      %and3A_81 = arith.andi %get3A_75, %and3A_80 : vector<16xi32>
      %bitcast3A_82 = vector.bitcast %and3A_81 : vector<16xi32> to vector<16xf32>
      %swap3A_83 = arith.index_cast %scan3A_73 : i32 to index
      %swap3A_84 = arith.constant 16 : index
      %swap3A_85 = tpu.vector_load %arg11[%swap3A_83, %swap3A_84] {strides = array<i32>} : memref<80x128xf32, #tpu.memory_space<vmem>>, vector<16xf32>,
      tpu.vector_store %arg11[%swap3A_83, %swap3A_84], %bitcast3A_82 {strides = array<i32>} : memref<80x128xf32, #tpu.memory_space<vmem>>, vector<16xf32>,
      %get3A_86 = arith.index_cast %scan3A_73 : i32 to index
      %get3A_87 = arith.constant 16 : index
      %get3A_88 = tpu.vector_load %arg9[%get3A_86, %get3A_87] {strides = array<i32>} : memref<80x64xi32, #tpu.memory_space<vmem>>, vector<16xi32>,
      %shift_left3A_89 = arith.constant 16 : i32
      %shift_left3A_90 = vector.broadcast %shift_left3A_89 : i32 to vector<16xi32>
      %shift_left3A_91 = arith.shli %get3A_88, %shift_left3A_90 : vector<16xi32>
      %bitcast3A_92 = vector.bitcast %shift_left3A_91 : vector<16xi32> to vector<16xf32>
      %swap3A_93 = arith.index_cast %scan3A_73 : i32 to index
      %swap3A_94 = arith.constant 32 : index
      %swap3A_95 = tpu.vector_load %arg11[%swap3A_93, %swap3A_94] {strides = array<i32>} : memref<80x128xf32, #tpu.memory_space<vmem>>, vector<16xf32>,
      tpu.vector_store %arg11[%swap3A_93, %swap3A_94], %bitcast3A_92 {strides = array<i32>} : memref<80x128xf32, #tpu.memory_space<vmem>>, vector<16xf32>,
      %and3A_96 = arith.constant -65536 : i32
      %and3A_97 = vector.broadcast %and3A_96 : i32 to vector<16xi32>
      %and3A_98 = arith.andi %get3A_88, %and3A_97 : vector<16xi32>
      %bitcast3A_99 = vector.bitcast %and3A_98 : vector<16xi32> to vector<16xf32>
      %swap3A_100 = arith.index_cast %scan3A_73 : i32 to index
      %swap3A_101 = arith.constant 48 : index
      %swap3A_102 = tpu.vector_load %arg11[%swap3A_100, %swap3A_101] {strides = array<i32>} : memref<80x128xf32, #tpu.memory_space<vmem>>, vector<16xf32>,
      tpu.vector_store %arg11[%swap3A_100, %swap3A_101], %bitcast3A_99 {strides = array<i32>} : memref<80x128xf32, #tpu.memory_space<vmem>>, vector<16xf32>,
      %get3A_103 = arith.index_cast %scan3A_73 : i32 to index
      %get3A_104 = arith.constant 32 : index
      %get3A_105 = tpu.vector_load %arg9[%get3A_103, %get3A_104] {strides = array<i32>} : memref<80x64xi32, #tpu.memory_space<vmem>>, vector<16xi32>,
      %shift_left3A_106 = arith.constant 16 : i32
      %shift_left3A_107 = vector.broadcast %shift_left3A_106 : i32 to vector<16xi32>
      %shift_left3A_108 = arith.shli %get3A_105, %shift_left3A_107 : vector<16xi32>
      %bitcast3A_109 = vector.bitcast %shift_left3A_108 : vector<16xi32> to vector<16xf32>
      %swap3A_110 = arith.index_cast %scan3A_73 : i32 to index
      %swap3A_111 = arith.constant 64 : index
      %swap3A_112 = tpu.vector_load %arg11[%swap3A_110, %swap3A_111] {strides = array<i32>} : memref<80x128xf32, #tpu.memory_space<vmem>>, vector<16xf32>,
      tpu.vector_store %arg11[%swap3A_110, %swap3A_111], %bitcast3A_109 {strides = array<i32>} : memref<80x128xf32, #tpu.memory_space<vmem>>, vector<16xf32>,
      %and3A_113 = arith.constant -65536 : i32
      %and3A_114 = vector.broadcast %and3A_113 : i32 to vector<16xi32>
      %and3A_115 = arith.andi %get3A_105, %and3A_114 : vector<16xi32>
      %bitcast3A_116 = vector.bitcast %and3A_115 : vector<16xi32> to vector<16xf32>
      %swap3A_117 = arith.index_cast %scan3A_73 : i32 to index
      %swap3A_118 = arith.constant 80 : index
      %swap3A_119 = tpu.vector_load %arg11[%swap3A_117, %swap3A_118] {strides = array<i32>} : memref<80x128xf32, #tpu.memory_space<vmem>>, vector<16xf32>,
      tpu.vector_store %arg11[%swap3A_117, %swap3A_118], %bitcast3A_116 {strides = array<i32>} : memref<80x128xf32, #tpu.memory_space<vmem>>, vector<16xf32>,
      %get3A_120 = arith.index_cast %scan3A_73 : i32 to index
      %get3A_121 = arith.constant 48 : index
      %get3A_122 = tpu.vector_load %arg9[%get3A_120, %get3A_121] {strides = array<i32>} : memref<80x64xi32, #tpu.memory_space<vmem>>, vector<16xi32>,
      %shift_left3A_123 = arith.constant 16 : i32
      %shift_left3A_124 = vector.broadcast %shift_left3A_123 : i32 to vector<16xi32>
      %shift_left3A_125 = arith.shli %get3A_122, %shift_left3A_124 : vector<16xi32>
      %bitcast3A_126 = vector.bitcast %shift_left3A_125 : vector<16xi32> to vector<16xf32>
      %swap3A_127 = arith.index_cast %scan3A_73 : i32 to index
      %swap3A_128 = arith.constant 96 : index
      %swap3A_129 = tpu.vector_load %arg11[%swap3A_127, %swap3A_128] {strides = array<i32>} : memref<80x128xf32, #tpu.memory_space<vmem>>, vector<16xf32>,
      tpu.vector_store %arg11[%swap3A_127, %swap3A_128], %bitcast3A_126 {strides = array<i32>} : memref<80x128xf32, #tpu.memory_space<vmem>>, vector<16xf32>,
      %and3A_130 = arith.constant -65536 : i32
      %and3A_131 = vector.broadcast %and3A_130 : i32 to vector<16xi32>
      %and3A_132 = arith.andi %get3A_122, %and3A_131 : vector<16xi32>
      %bitcast3A_133 = vector.bitcast %and3A_132 : vector<16xi32> to vector<16xf32>
      %swap3A_134 = arith.index_cast %scan3A_73 : i32 to index
      %swap3A_135 = arith.constant 112 : index
      %swap3A_136 = tpu.vector_load %arg11[%swap3A_134, %swap3A_135] {strides = array<i32>} : memref<80x128xf32, #tpu.memory_space<vmem>>, vector<16xf32>,
      tpu.vector_store %arg11[%swap3A_134, %swap3A_135], %bitcast3A_133 {strides = array<i32>} : memref<80x128xf32, #tpu.memory_space<vmem>>, vector<16xf32>,
    }
    %scan3A_43 = arith.constant 80 : i32
    %dma_start3A_44 = arith.constant 0 : i32
    %dma_start3A_45 = arith.constant 124 : i32
    %dma_start3A_46 = arith.constant 0 : i32
    %dma_start3A_47 = tpu.memref_slice %arg8[%dma_start3A_44, %dma_start3A_45, %dma_start3A_46] : memref<1x125x80xi32, #tpu.memory_space<vmem>> -> memref<1x1x80xi32, #tpu.memory_space<vmem>>
    %dma_start3A_48 = tpu.memref_squeeze %dma_start3A_47 : memref<1x1x80xi32, #tpu.memory_space<vmem>> -> memref<80xi32, #tpu.memory_space<vmem>>
    %dma_start3A_49 = arith.constant 0 : i32
    %dma_start3A_50 = arith.constant 0 : i32
    %dma_start3A_51 = tpu.memref_slice %arg13[%dma_start3A_49, %dma_start3A_50] : memref<10000x128xf32, #tpu.memory_space<vmem_shared>> -> memref<10000x128xf32, #tpu.memory_space<vmem_shared>>
    tpu.enqueue_indirect_dma source(%arg11 : memref<80x128xf32, #tpu.memory_space<vmem>>) target(%dma_start3A_51 : memref<10000x128xf32, #tpu.memory_space<vmem_shared>>) offsets(%dma_start3A_48 : memref<80xi32, #tpu.memory_space<vmem>>) semaphore(%arg16 : memref<!tpu.dma_semaphore, #tpu.memory_space<semaphore_mem>>) {add = true}
    %dma_wait3A_52 = arith.constant 0 : i32
    %dma_wait3A_53 = arith.constant 0 : i32
    %dma_wait3A_54 = arith.constant 0 : i32
    %dma_wait3A_55 = tpu.memref_slice %arg8[%dma_wait3A_52, %dma_wait3A_53, %dma_wait3A_54] : memref<1x125x80xi32, #tpu.memory_space<vmem>> -> memref<1x1x80xi32, #tpu.memory_space<vmem>>
    %dma_wait3A_56 = tpu.memref_squeeze %dma_wait3A_55 : memref<1x1x80xi32, #tpu.memory_space<vmem>> -> memref<80xi32, #tpu.memory_space<vmem>>
    %dma_wait3A_57 = arith.constant 0 : i32
    %dma_wait3A_58 = arith.constant 0 : i32
    %dma_wait3A_59 = tpu.memref_slice %arg13[%dma_wait3A_57, %dma_wait3A_58] : memref<10000x128xf32, #tpu.memory_space<vmem_shared>> -> memref<10000x128xf32, #tpu.memory_space<vmem_shared>>
    tpu.wait_indirect_dma semaphore(%arg16 : memref<!tpu.dma_semaphore, #tpu.memory_space<semaphore_mem>>) src(%arg11 : memref<80x128xf32, #tpu.memory_space<vmem>>) dst(%dma_wait3A_59 : memref<10000x128xf32, #tpu.memory_space<vmem_shared>>)
    %dma_wait3A_60 = arith.constant 0 : i32
    %dma_wait3A_61 = arith.constant 0 : i32
    %dma_wait3A_62 = arith.constant 0 : i32
    %dma_wait3A_63 = tpu.memref_slice %arg8[%dma_wait3A_60, %dma_wait3A_61, %dma_wait3A_62] : memref<1x125x80xi32, #tpu.memory_space<vmem>> -> memref<1x1x80xi32, #tpu.memory_space<vmem>>
    %dma_wait3A_64 = tpu.memref_squeeze %dma_wait3A_63 : memref<1x1x80xi32, #tpu.memory_space<vmem>> -> memref<80xi32, #tpu.memory_space<vmem>>
    %dma_wait3A_65 = arith.constant 0 : i32
    %dma_wait3A_66 = arith.constant 0 : i32
    %dma_wait3A_67 = tpu.memref_slice %arg13[%dma_wait3A_65, %dma_wait3A_66] : memref<10000x128xf32, #tpu.memory_space<vmem_shared>> -> memref<10000x128xf32, #tpu.memory_space<vmem_shared>>
    tpu.wait_indirect_dma semaphore(%arg17 : memref<!tpu.dma_semaphore, #tpu.memory_space<semaphore_mem>>) src(%arg12 : memref<80x128xf32, #tpu.memory_space<vmem>>) dst(%dma_wait3A_67 : memref<10000x128xf32, #tpu.memory_space<vmem_shared>>)
    %barrier3A_68 = arith.constant 0 : index
    tpu.barrier barrier_id(%barrier3A_68)
    %lt3A = arith.constant 10 : i32
    %lt3A_69 = arith.cmpi slt, %arg1, %lt3A : i32
    %convert_element_type3A_70 = arith.extui %lt3A_69 : i1 to i32
    %cond3A_71 = arith.constant 0 : i32
    %cond3A_72 = arith.cmpi ne, %convert_element_type3A_70, %cond3A_71 : i32
    scf.if %cond3A_72 {
      %mul3A_73 = arith.constant 1000 : i32
      %mul3A_74 = arith.muli %arg1, %mul3A_73 : i32
      %mul3A_75 = arith.constant 10000 : i32
      %mul3A_76 = arith.muli %arg0, %mul3A_75 : i32
      %add3A_77 = arith.addi %mul3A_76, %mul3A_74 : i32
      "tpu.region"() ({
        %run_scoped3A = tpu.sem_alloc : memref<!tpu.dma_semaphore, #tpu.memory_space<semaphore_mem>>
        %dma_start3A_78 = arith.constant 0 : i32
        %dma_start3A_79 = tpu.memref_slice %arg6[%add3A_77, %dma_start3A_78] : memref<20000x128xf32, #tpu.memory_space<hbm>> -> memref<1000x128xf32, #tpu.memory_space<hbm>>
        %dma_start3A_80 = arith.constant 0 : i32
        %dma_start3A_81 = tpu.memref_slice %arg13[%mul3A_74, %dma_start3A_80] : memref<10000x128xf32, #tpu.memory_space<vmem_shared>> -> memref<1000x128xf32, #tpu.memory_space<vmem_shared>>
        tpu.enqueue_dma source(%dma_start3A_81 : memref<1000x128xf32, #tpu.memory_space<vmem_shared>>) target(%dma_start3A_79 : memref<1000x128xf32, #tpu.memory_space<hbm>>) target_semaphore(%run_scoped3A : memref<!tpu.dma_semaphore, #tpu.memory_space<semaphore_mem>>)
        %dma_wait3A_82 = arith.constant 0 : i32
        %dma_wait3A_83 = tpu.memref_slice %arg6[%add3A_77, %dma_wait3A_82] : memref<20000x128xf32, #tpu.memory_space<hbm>> -> memref<1000x128xf32, #tpu.memory_space<hbm>>
        %dma_wait3A_84 = arith.constant 0 : i32
        %dma_wait3A_85 = tpu.memref_slice %arg13[%mul3A_74, %dma_wait3A_84] : memref<10000x128xf32, #tpu.memory_space<vmem_shared>> -> memref<1000x128xf32, #tpu.memory_space<vmem_shared>>
        tpu.wait_dma2 semaphore(%run_scoped3A : memref<!tpu.dma_semaphore, #tpu.memory_space<semaphore_mem>>) src(%dma_wait3A_85 : memref<1000x128xf32, #tpu.memory_space<vmem_shared>>) dst(%dma_wait3A_83 : memref<1000x128xf32, #tpu.memory_space<hbm>>)
        tpu.yield
      }) : () -> ()
    } else {
    }
    return
  }
}

module attributes {stable_mosaic.version = 14 : i64} {
  func.func @_tc1_body(%arg0: i32, %arg1: memref<1000x128xf32, #tpu.memory_space<vmem>>, %arg2: memref<128x128xf32, #tpu.memory_space<vmem>>, %arg3: memref<1x128xf32, #tpu.memory_space<vmem>>, %arg4: memref<1x128xf32, #tpu.memory_space<vmem>>, %arg5: memref<1x4xf32, #tpu.memory_space<smem>>, %arg6: memref<1000x64xi32, #tpu.memory_space<vmem>>) attributes {dimension_semantics = [#tpu.dimension_semantics<arbitrary>], iteration_bounds = array<i64: 10>, scalar_prefetch = 0 : i64, scratch_operands = 0 : i64, tpu.core_type = #tpu.core_type<tc>, window_params = [{transform_indices = @transform_0, window_bounds = array<i64: 1000, 128>}, {pipeline_mode = #tpu.pipeline_mode<synchronous>, transform_indices = @transform_1, window_bounds = array<i64: 128, 128>}, {pipeline_mode = #tpu.pipeline_mode<synchronous>, transform_indices = @transform_2, window_bounds = array<i64: 1, 128>}, {pipeline_mode = #tpu.pipeline_mode<synchronous>, transform_indices = @transform_3, window_bounds = array<i64: 1, 128>}, {transform_indices = @transform_4, window_bounds = array<i64: 1, 4>}, {transform_indices = @transform_5, window_bounds = array<i64: 1000, 64>}]} {
    %get3A = arith.constant 0 : index
    %get3A_0 = arith.constant 0 : index
    %get3A_1 = vector.load %arg1[%get3A, %get3A_0] : memref<1000x128xf32, #tpu.memory_space<vmem>>, vector<1000x128xf32>
    %mul3A = arith.mulf %get3A_1, %get3A_1 : vector<1000x128xf32>
    %reduce_sum3A = arith.constant dense<0.000000e+00> : vector<1000xf32>
    %reduce_sum3A_2 = vector.multi_reduction <add>, %mul3A, %reduce_sum3A [1] : vector<1000x128xf32> to vector<1000xf32>
    %broadcast_in_dim3A = vector.shape_cast %reduce_sum3A_2 : vector<1000xf32> to vector<1000x1xf32>
    %max3A = arith.constant 9.99999993E-9 : f32
    %max3A_3 = vector.broadcast %max3A : f32 to vector<1000x1xf32>
    %max3A_4 = arith.maximumf %broadcast_in_dim3A, %max3A_3 : vector<1000x1xf32>
    %sqrt3A = math.sqrt %max3A_4 : vector<1000x1xf32>
    %exp3A = math.exp %sqrt3A : vector<1000x1xf32>
    %div3A = arith.constant 1.000000e+00 : f32
    %div3A_5 = vector.broadcast %div3A : f32 to vector<1000x1xf32>
    %div3A_6 = arith.divf %div3A_5, %exp3A : vector<1000x1xf32>
    %sub3A = arith.subf %exp3A, %div3A_6 : vector<1000x1xf32>
    %mul3A_7 = arith.constant 5.000000e-01 : f32
    %mul3A_8 = vector.broadcast %mul3A_7 : f32 to vector<1000x1xf32>
    %mul3A_9 = arith.mulf %mul3A_8, %sub3A : vector<1000x1xf32>
    %div3A_10 = arith.divf %mul3A_9, %sqrt3A : vector<1000x1xf32>
    %mul3A_11 = vector.broadcast %div3A_10 : vector<1000x1xf32> to vector<1000x128xf32>
    %mul3A_12 = arith.mulf %get3A_1, %mul3A_11 : vector<1000x128xf32>
    %mul3A_13 = arith.mulf %mul3A_12, %mul3A_12 : vector<1000x128xf32>
    %reduce_sum3A_14 = arith.constant dense<0.000000e+00> : vector<1000xf32>
    %reduce_sum3A_15 = vector.multi_reduction <add>, %mul3A_13, %reduce_sum3A_14 [1] : vector<1000x128xf32> to vector<1000xf32>
    %broadcast_in_dim3A_16 = vector.shape_cast %reduce_sum3A_15 : vector<1000xf32> to vector<1000x1xf32>
    %add3A = arith.constant 1.000000e+00 : f32
    %add3A_17 = vector.broadcast %add3A : f32 to vector<1000x1xf32>
    %add3A_18 = arith.addf %add3A_17, %broadcast_in_dim3A_16 : vector<1000x1xf32>
    %sqrt3A_19 = math.sqrt %add3A_18 : vector<1000x1xf32>
    %get3A_20 = arith.constant 0 : index
    %get3A_21 = arith.constant 0 : index
    %get3A_22 = vector.load %arg2[%get3A_20, %get3A_21] : memref<128x128xf32, #tpu.memory_space<vmem>>, vector<128x128xf32>
    %dot_general3A = arith.constant dense<0.000000e+00> : vector<1000x128xf32>
    %dot_general3A_23 = tpu.matmul %mul3A_12, %get3A_22, %dot_general3A {dimension_numbers = #tpu.dot_dimension_numbers<[1], [0], [0], [1], [0, 0, 1, 1], [], []>, precision = #tpu.contract_precision<fp32>, transpose_lhs_hint = false} : vector<1000x128xf32>, vector<128x128xf32>, vector<1000x128xf32> -> vector<1000x128xf32>
    %get3A_24 = arith.constant 0 : index
    %get3A_25 = arith.constant 0 : index
    %get3A_26 = vector.load %arg3[%get3A_24, %get3A_25] : memref<1x128xf32, #tpu.memory_space<vmem>>, vector<1x128xf32>
    %mul3A_27 = vector.broadcast %sqrt3A_19 : vector<1000x1xf32> to vector<1000x128xf32>
    %mul3A_28 = vector.broadcast %get3A_26 : vector<1x128xf32> to vector<1000x128xf32>
    %mul3A_29 = arith.mulf %mul3A_27, %mul3A_28 : vector<1000x128xf32>
    %add3A_30 = arith.addf %dot_general3A_23, %mul3A_29 : vector<1000x128xf32>
    %get3A_31 = arith.constant 0 : index
    %get3A_32 = arith.constant 0 : index
    %get3A_33 = vector.load %arg4[%get3A_31, %get3A_32] : memref<1x128xf32, #tpu.memory_space<vmem>>, vector<1x128xf32>
    %add3A_34 = vector.broadcast %get3A_33 : vector<1x128xf32> to vector<1000x128xf32>
    %add3A_35 = arith.addf %add3A_30, %add3A_34 : vector<1000x128xf32>
    %get3A_36 = arith.constant 0 : index
    %get3A_37 = arith.constant 0 : index
    %get3A_38 = memref.load %arg5[%get3A_36, %get3A_37] : memref<1x4xf32, #tpu.memory_space<smem>>
    %slice3A = vector.extract_strided_slice %add3A_35 {offsets = [0, 0], sizes = [1000, 1], strides = [1, 1]} : vector<1000x128xf32> to vector<1000x1xf32>
    %neg3A = arith.constant 0.000000e+00 : f32
    %neg3A_39 = vector.broadcast %neg3A : f32 to vector<1000x1xf32>
    %neg3A_40 = arith.subf %neg3A_39, %slice3A : vector<1000x1xf32>
    %exp3A_41 = math.exp %neg3A_40 : vector<1000x1xf32>
    %add3A_42 = arith.constant 1.000000e+00 : f32
    %add3A_43 = vector.broadcast %add3A_42 : f32 to vector<1000x1xf32>
    %add3A_44 = arith.addf %add3A_43, %exp3A_41 : vector<1000x1xf32>
    %div3A_45 = vector.broadcast %get3A_38 : f32 to vector<1000x1xf32>
    %div3A_46 = arith.divf %div3A_45, %add3A_44 : vector<1000x1xf32>
    %add3A_47 = arith.constant 1.100000e+00 : f32
    %add3A_48 = vector.broadcast %add3A_47 : f32 to vector<1000x1xf32>
    %add3A_49 = arith.addf %div3A_46, %add3A_48 : vector<1000x1xf32>
    %mul3A_50 = arith.mulf %add3A_35, %add3A_35 : vector<1000x128xf32>
    %reduce_sum3A_51 = arith.constant dense<0.000000e+00> : vector<1000xf32>
    %reduce_sum3A_52 = vector.multi_reduction <add>, %mul3A_50, %reduce_sum3A_51 [1] : vector<1000x128xf32> to vector<1000xf32>
    %broadcast_in_dim3A_53 = vector.shape_cast %reduce_sum3A_52 : vector<1000xf32> to vector<1000x1xf32>
    %mul3A_54 = arith.mulf %slice3A, %slice3A : vector<1000x1xf32>
    %sub3A_55 = arith.subf %broadcast_in_dim3A_53, %mul3A_54 : vector<1000x1xf32>
    %max3A_56 = arith.constant 9.99999993E-9 : f32
    %max3A_57 = vector.broadcast %max3A_56 : f32 to vector<1000x1xf32>
    %max3A_58 = arith.maximumf %sub3A_55, %max3A_57 : vector<1000x1xf32>
    %mul3A_59 = arith.mulf %add3A_49, %add3A_49 : vector<1000x1xf32>
    %sub3A_60 = arith.constant 1.000000e+00 : f32
    %sub3A_61 = vector.broadcast %sub3A_60 : f32 to vector<1000x1xf32>
    %sub3A_62 = arith.subf %mul3A_59, %sub3A_61 : vector<1000x1xf32>
    %div3A_63 = arith.divf %sub3A_62, %max3A_58 : vector<1000x1xf32>
    %sqrt3A_64 = math.sqrt %div3A_63 : vector<1000x1xf32>
    %mul3A_65 = vector.broadcast %sqrt3A_64 : vector<1000x1xf32> to vector<1000x128xf32>
    %mul3A_66 = arith.mulf %add3A_35, %mul3A_65 : vector<1000x128xf32>
    %iota3A = tpu.iota {dimensions = array<i32: 1>} : vector<1000x128xi32>
    %eq3A = arith.constant 0 : i32
    %eq3A_67 = vector.broadcast %eq3A : i32 to vector<1000x128xi32>
    %eq3A_68 = arith.cmpi eq, %iota3A, %eq3A_67 : vector<1000x128xi32>
    %broadcast_in_dim3A_69 = vector.shape_cast %add3A_49 : vector<1000x1xf32> to vector<1000x1xf32>
    %broadcast_in_dim3A_70 = vector.broadcast %broadcast_in_dim3A_69 : vector<1000x1xf32> to vector<1000x128xf32>
    %select_n3A = arith.select %eq3A_68, %broadcast_in_dim3A_70, %mul3A_66 : vector<1000x128xi1>, vector<1000x128xf32>
    %convert_element_type3A = arith.truncf %select_n3A : vector<1000x128xf32> to vector<1000x128xbf16>
    %slice3A_71 = vector.extract_strided_slice %convert_element_type3A {offsets = [0, 0], sizes = [1000, 16], strides = [1, 1]} : vector<1000x128xbf16> to vector<1000x16xbf16>
    %bitcast_convert_type3A = tpu.bitcast %slice3A_71 : vector<1000x16xbf16> -> vector<1000x16xi16>
    %convert_element_type3A_72 = arith.extui %bitcast_convert_type3A : vector<1000x16xi16> to vector<1000x16xi32>
    %slice3A_73 = vector.extract_strided_slice %convert_element_type3A {offsets = [0, 16], sizes = [1000, 16], strides = [1, 1]} : vector<1000x128xbf16> to vector<1000x16xbf16>
    %bitcast_convert_type3A_74 = tpu.bitcast %slice3A_73 : vector<1000x16xbf16> -> vector<1000x16xi16>
    %convert_element_type3A_75 = arith.extui %bitcast_convert_type3A_74 : vector<1000x16xi16> to vector<1000x16xi32>
    %shift_left3A = arith.constant 16 : i32
    %shift_left3A_76 = vector.broadcast %shift_left3A : i32 to vector<1000x16xi32>
    %shift_left3A_77 = arith.shli %convert_element_type3A_75, %shift_left3A_76 : vector<1000x16xi32>
    %or3A = arith.ori %shift_left3A_77, %convert_element_type3A_72 : vector<1000x16xi32>
    %slice3A_78 = vector.extract_strided_slice %convert_element_type3A {offsets = [0, 32], sizes = [1000, 16], strides = [1, 1]} : vector<1000x128xbf16> to vector<1000x16xbf16>
    %bitcast_convert_type3A_79 = tpu.bitcast %slice3A_78 : vector<1000x16xbf16> -> vector<1000x16xi16>
    %convert_element_type3A_80 = arith.extui %bitcast_convert_type3A_79 : vector<1000x16xi16> to vector<1000x16xi32>
    %slice3A_81 = vector.extract_strided_slice %convert_element_type3A {offsets = [0, 48], sizes = [1000, 16], strides = [1, 1]} : vector<1000x128xbf16> to vector<1000x16xbf16>
    %bitcast_convert_type3A_82 = tpu.bitcast %slice3A_81 : vector<1000x16xbf16> -> vector<1000x16xi16>
    %convert_element_type3A_83 = arith.extui %bitcast_convert_type3A_82 : vector<1000x16xi16> to vector<1000x16xi32>
    %shift_left3A_84 = arith.constant 16 : i32
    %shift_left3A_85 = vector.broadcast %shift_left3A_84 : i32 to vector<1000x16xi32>
    %shift_left3A_86 = arith.shli %convert_element_type3A_83, %shift_left3A_85 : vector<1000x16xi32>
    %or3A_87 = arith.ori %shift_left3A_86, %convert_element_type3A_80 : vector<1000x16xi32>
    %slice3A_88 = vector.extract_strided_slice %convert_element_type3A {offsets = [0, 64], sizes = [1000, 16], strides = [1, 1]} : vector<1000x128xbf16> to vector<1000x16xbf16>
    %bitcast_convert_type3A_89 = tpu.bitcast %slice3A_88 : vector<1000x16xbf16> -> vector<1000x16xi16>
    %convert_element_type3A_90 = arith.extui %bitcast_convert_type3A_89 : vector<1000x16xi16> to vector<1000x16xi32>
    %slice3A_91 = vector.extract_strided_slice %convert_element_type3A {offsets = [0, 80], sizes = [1000, 16], strides = [1, 1]} : vector<1000x128xbf16> to vector<1000x16xbf16>
    %bitcast_convert_type3A_92 = tpu.bitcast %slice3A_91 : vector<1000x16xbf16> -> vector<1000x16xi16>
    %convert_element_type3A_93 = arith.extui %bitcast_convert_type3A_92 : vector<1000x16xi16> to vector<1000x16xi32>
    %shift_left3A_94 = arith.constant 16 : i32
    %shift_left3A_95 = vector.broadcast %shift_left3A_94 : i32 to vector<1000x16xi32>
    %shift_left3A_96 = arith.shli %convert_element_type3A_93, %shift_left3A_95 : vector<1000x16xi32>
    %or3A_97 = arith.ori %shift_left3A_96, %convert_element_type3A_90 : vector<1000x16xi32>
    %slice3A_98 = vector.extract_strided_slice %convert_element_type3A {offsets = [0, 96], sizes = [1000, 16], strides = [1, 1]} : vector<1000x128xbf16> to vector<1000x16xbf16>
    %bitcast_convert_type3A_99 = tpu.bitcast %slice3A_98 : vector<1000x16xbf16> -> vector<1000x16xi16>
    %convert_element_type3A_100 = arith.extui %bitcast_convert_type3A_99 : vector<1000x16xi16> to vector<1000x16xi32>
    %slice3A_101 = vector.extract_strided_slice %convert_element_type3A {offsets = [0, 112], sizes = [1000, 16], strides = [1, 1]} : vector<1000x128xbf16> to vector<1000x16xbf16>
    %bitcast_convert_type3A_102 = tpu.bitcast %slice3A_101 : vector<1000x16xbf16> -> vector<1000x16xi16>
    %convert_element_type3A_103 = arith.extui %bitcast_convert_type3A_102 : vector<1000x16xi16> to vector<1000x16xi32>
    %shift_left3A_104 = arith.constant 16 : i32
    %shift_left3A_105 = vector.broadcast %shift_left3A_104 : i32 to vector<1000x16xi32>
    %shift_left3A_106 = arith.shli %convert_element_type3A_103, %shift_left3A_105 : vector<1000x16xi32>
    %or3A_107 = arith.ori %shift_left3A_106, %convert_element_type3A_100 : vector<1000x16xi32>
    %concatenate3A = tpu.concatenate %or3A, %or3A_87, %or3A_97, %or3A_107 in 1 : vector<1000x16xi32>, vector<1000x16xi32>, vector<1000x16xi32>, vector<1000x16xi32> -> vector<1000x64xi32>
    %swap3A = arith.constant 0 : index
    %swap3A_108 = arith.constant 0 : index
    %swap3A_109 = vector.load %arg6[%swap3A, %swap3A_108] : memref<1000x64xi32, #tpu.memory_space<vmem>>, vector<1000x64xi32>
    tpu.vector_store %arg6[%swap3A, %swap3A_108], %concatenate3A {strides = array<i32>} : memref<1000x64xi32, #tpu.memory_space<vmem>>, vector<1000x64xi32>,
    return
  }
  func.func @transform_0(%arg0: i32) -> (i32, i32) {
    %c0_i32 = arith.constant 0 : i32
    %c0_i32_0 = arith.constant 0 : i32
    return %arg0, %c0_i32 : i32, i32
  }
  func.func @transform_1(%arg0: i32) -> (i32, i32) {
    %c0_i32 = arith.constant 0 : i32
    %c0_i32_0 = arith.constant 0 : i32
    %c0_i32_1 = arith.constant 0 : i32
    return %c0_i32, %c0_i32_0 : i32, i32
  }
  func.func @transform_2(%arg0: i32) -> (i32, i32) {
    %c0_i32 = arith.constant 0 : i32
    %c0_i32_0 = arith.constant 0 : i32
    %c0_i32_1 = arith.constant 0 : i32
    return %c0_i32, %c0_i32_0 : i32, i32
  }
  func.func @transform_3(%arg0: i32) -> (i32, i32) {
    %c0_i32 = arith.constant 0 : i32
    %c0_i32_0 = arith.constant 0 : i32
    %c0_i32_1 = arith.constant 0 : i32
    return %c0_i32, %c0_i32_0 : i32, i32
  }
  func.func @transform_4(%arg0: i32) -> (i32, i32) {
    %c0_i32 = arith.constant 0 : i32
    %c0_i32_0 = arith.constant 0 : i32
    %c0_i32_1 = arith.constant 0 : i32
    return %c0_i32, %c0_i32_0 : i32, i32
  }
  func.func @transform_5(%arg0: i32) -> (i32, i32) {
    %c0_i32 = arith.constant 0 : i32
    %c0_i32_0 = arith.constant 0 : i32
    return %arg0, %c0_i32 : i32, i32
  }
}

module attributes {stable_mosaic.version = 14 : i64} {
  func.func @_tc2_body(%arg0: i32, %arg1: memref<1000x128xf32, #tpu.memory_space<vmem>>, %arg2: memref<1000x128xf32, #tpu.memory_space<vmem>>, %arg3: memref<128x128xf32, #tpu.memory_space<vmem>>, %arg4: memref<1x128xf32, #tpu.memory_space<vmem>>, %arg5: memref<1x4xf32, #tpu.memory_space<smem>>, %arg6: memref<1000x128xf32, #tpu.memory_space<vmem>>, %arg7: memref<1000x64xi32, #tpu.memory_space<vmem>>) attributes {dimension_semantics = [#tpu.dimension_semantics<arbitrary>], iteration_bounds = array<i64: 10>, scalar_prefetch = 0 : i64, scratch_operands = 0 : i64, tpu.core_type = #tpu.core_type<tc>, window_params = [{transform_indices = @transform_0, window_bounds = array<i64: 1000, 128>}, {transform_indices = @transform_1, window_bounds = array<i64: 1000, 128>}, {pipeline_mode = #tpu.pipeline_mode<synchronous>, transform_indices = @transform_2, window_bounds = array<i64: 128, 128>}, {pipeline_mode = #tpu.pipeline_mode<synchronous>, transform_indices = @transform_3, window_bounds = array<i64: 1, 128>}, {transform_indices = @transform_4, window_bounds = array<i64: 1, 4>}, {transform_indices = @transform_5, window_bounds = array<i64: 1000, 128>}, {transform_indices = @transform_6, window_bounds = array<i64: 1000, 64>}]} {
    %get3A = arith.constant 0 : index
    %get3A_0 = arith.constant 0 : index
    %get3A_1 = vector.load %arg1[%get3A, %get3A_0] : memref<1000x128xf32, #tpu.memory_space<vmem>>, vector<1000x128xf32>
    %get3A_2 = arith.constant 0 : index
    %get3A_3 = arith.constant 0 : index
    %get3A_4 = vector.load %arg2[%get3A_2, %get3A_3] : memref<1000x128xf32, #tpu.memory_space<vmem>>, vector<1000x128xf32>
    %add3A = arith.addf %get3A_1, %get3A_4 : vector<1000x128xf32>
    %slice3A = vector.extract_strided_slice %add3A {offsets = [0, 0], sizes = [1000, 1], strides = [1, 1]} : vector<1000x128xf32> to vector<1000x1xf32>
    %mul3A = arith.constant 2.000000e+00 : f32
    %mul3A_5 = vector.broadcast %mul3A : f32 to vector<1000x1xf32>
    %mul3A_6 = arith.mulf %mul3A_5, %slice3A : vector<1000x1xf32>
    %mul3A_7 = arith.mulf %mul3A_6, %slice3A : vector<1000x1xf32>
    %mul3A_8 = arith.mulf %add3A, %add3A : vector<1000x128xf32>
    %reduce_sum3A = arith.constant dense<0.000000e+00> : vector<1000xf32>
    %reduce_sum3A_9 = vector.multi_reduction <add>, %mul3A_8, %reduce_sum3A [1] : vector<1000x128xf32> to vector<1000xf32>
    %broadcast_in_dim3A = vector.shape_cast %reduce_sum3A_9 : vector<1000xf32> to vector<1000x1xf32>
    %sub3A = arith.subf %mul3A_7, %broadcast_in_dim3A : vector<1000x1xf32>
    %abs3A = math.absf %sub3A : vector<1000x1xf32>
    %max3A = arith.constant 9.99999993E-9 : f32
    %max3A_10 = vector.broadcast %max3A : f32 to vector<1000x1xf32>
    %max3A_11 = arith.maximumf %abs3A, %max3A_10 : vector<1000x1xf32>
    %sqrt3A = math.sqrt %max3A_11 : vector<1000x1xf32>
    %div3A = vector.broadcast %sqrt3A : vector<1000x1xf32> to vector<1000x128xf32>
    %div3A_12 = arith.divf %add3A, %div3A : vector<1000x128xf32>
    %swap3A = arith.constant 0 : index
    %swap3A_13 = arith.constant 0 : index
    %swap3A_14 = vector.load %arg6[%swap3A, %swap3A_13] : memref<1000x128xf32, #tpu.memory_space<vmem>>, vector<1000x128xf32>
    tpu.vector_store %arg6[%swap3A, %swap3A_13], %div3A_12 {strides = array<i32>} : memref<1000x128xf32, #tpu.memory_space<vmem>>, vector<1000x128xf32>,
    %max3A_15 = arith.constant 0.000000e+00 : f32
    %max3A_16 = vector.broadcast %max3A_15 : f32 to vector<1000x128xf32>
    %max3A_17 = arith.maximumf %div3A_12, %max3A_16 : vector<1000x128xf32>
    %get3A_18 = arith.constant 0 : index
    %get3A_19 = arith.constant 0 : index
    %get3A_20 = vector.load %arg3[%get3A_18, %get3A_19] : memref<128x128xf32, #tpu.memory_space<vmem>>, vector<128x128xf32>
    %dot_general3A = arith.constant dense<0.000000e+00> : vector<1000x128xf32>
    %dot_general3A_21 = tpu.matmul %max3A_17, %get3A_20, %dot_general3A {dimension_numbers = #tpu.dot_dimension_numbers<[1], [0], [0], [1], [0, 0, 1, 1], [], []>, precision = #tpu.contract_precision<fp32>, transpose_lhs_hint = false} : vector<1000x128xf32>, vector<128x128xf32>, vector<1000x128xf32> -> vector<1000x128xf32>
    %get3A_22 = arith.constant 0 : index
    %get3A_23 = arith.constant 0 : index
    %get3A_24 = vector.load %arg4[%get3A_22, %get3A_23] : memref<1x128xf32, #tpu.memory_space<vmem>>, vector<1x128xf32>
    %add3A_25 = vector.broadcast %get3A_24 : vector<1x128xf32> to vector<1000x128xf32>
    %add3A_26 = arith.addf %dot_general3A_21, %add3A_25 : vector<1000x128xf32>
    %get3A_27 = arith.constant 0 : index
    %get3A_28 = arith.constant 1 : index
    %get3A_29 = memref.load %arg5[%get3A_27, %get3A_28] : memref<1x4xf32, #tpu.memory_space<smem>>
    %slice3A_30 = vector.extract_strided_slice %add3A_26 {offsets = [0, 0], sizes = [1000, 1], strides = [1, 1]} : vector<1000x128xf32> to vector<1000x1xf32>
    %neg3A = arith.constant 0.000000e+00 : f32
    %neg3A_31 = vector.broadcast %neg3A : f32 to vector<1000x1xf32>
    %neg3A_32 = arith.subf %neg3A_31, %slice3A_30 : vector<1000x1xf32>
    %exp3A = math.exp %neg3A_32 : vector<1000x1xf32>
    %add3A_33 = arith.constant 1.000000e+00 : f32
    %add3A_34 = vector.broadcast %add3A_33 : f32 to vector<1000x1xf32>
    %add3A_35 = arith.addf %add3A_34, %exp3A : vector<1000x1xf32>
    %div3A_36 = vector.broadcast %get3A_29 : f32 to vector<1000x1xf32>
    %div3A_37 = arith.divf %div3A_36, %add3A_35 : vector<1000x1xf32>
    %add3A_38 = arith.constant 1.100000e+00 : f32
    %add3A_39 = vector.broadcast %add3A_38 : f32 to vector<1000x1xf32>
    %add3A_40 = arith.addf %div3A_37, %add3A_39 : vector<1000x1xf32>
    %mul3A_41 = arith.mulf %add3A_26, %add3A_26 : vector<1000x128xf32>
    %reduce_sum3A_42 = arith.constant dense<0.000000e+00> : vector<1000xf32>
    %reduce_sum3A_43 = vector.multi_reduction <add>, %mul3A_41, %reduce_sum3A_42 [1] : vector<1000x128xf32> to vector<1000xf32>
    %broadcast_in_dim3A_44 = vector.shape_cast %reduce_sum3A_43 : vector<1000xf32> to vector<1000x1xf32>
    %mul3A_45 = arith.mulf %slice3A_30, %slice3A_30 : vector<1000x1xf32>
    %sub3A_46 = arith.subf %broadcast_in_dim3A_44, %mul3A_45 : vector<1000x1xf32>
    %max3A_47 = arith.constant 9.99999993E-9 : f32
    %max3A_48 = vector.broadcast %max3A_47 : f32 to vector<1000x1xf32>
    %max3A_49 = arith.maximumf %sub3A_46, %max3A_48 : vector<1000x1xf32>
    %mul3A_50 = arith.mulf %add3A_40, %add3A_40 : vector<1000x1xf32>
    %sub3A_51 = arith.constant 1.000000e+00 : f32
    %sub3A_52 = vector.broadcast %sub3A_51 : f32 to vector<1000x1xf32>
    %sub3A_53 = arith.subf %mul3A_50, %sub3A_52 : vector<1000x1xf32>
    %div3A_54 = arith.divf %sub3A_53, %max3A_49 : vector<1000x1xf32>
    %sqrt3A_55 = math.sqrt %div3A_54 : vector<1000x1xf32>
    %mul3A_56 = vector.broadcast %sqrt3A_55 : vector<1000x1xf32> to vector<1000x128xf32>
    %mul3A_57 = arith.mulf %add3A_26, %mul3A_56 : vector<1000x128xf32>
    %iota3A = tpu.iota {dimensions = array<i32: 1>} : vector<1000x128xi32>
    %eq3A = arith.constant 0 : i32
    %eq3A_58 = vector.broadcast %eq3A : i32 to vector<1000x128xi32>
    %eq3A_59 = arith.cmpi eq, %iota3A, %eq3A_58 : vector<1000x128xi32>
    %broadcast_in_dim3A_60 = vector.shape_cast %add3A_40 : vector<1000x1xf32> to vector<1000x1xf32>
    %broadcast_in_dim3A_61 = vector.broadcast %broadcast_in_dim3A_60 : vector<1000x1xf32> to vector<1000x128xf32>
    %select_n3A = arith.select %eq3A_59, %broadcast_in_dim3A_61, %mul3A_57 : vector<1000x128xi1>, vector<1000x128xf32>
    %convert_element_type3A = arith.truncf %select_n3A : vector<1000x128xf32> to vector<1000x128xbf16>
    %slice3A_62 = vector.extract_strided_slice %convert_element_type3A {offsets = [0, 0], sizes = [1000, 16], strides = [1, 1]} : vector<1000x128xbf16> to vector<1000x16xbf16>
    %bitcast_convert_type3A = tpu.bitcast %slice3A_62 : vector<1000x16xbf16> -> vector<1000x16xi16>
    %convert_element_type3A_63 = arith.extui %bitcast_convert_type3A : vector<1000x16xi16> to vector<1000x16xi32>
    %slice3A_64 = vector.extract_strided_slice %convert_element_type3A {offsets = [0, 16], sizes = [1000, 16], strides = [1, 1]} : vector<1000x128xbf16> to vector<1000x16xbf16>
    %bitcast_convert_type3A_65 = tpu.bitcast %slice3A_64 : vector<1000x16xbf16> -> vector<1000x16xi16>
    %convert_element_type3A_66 = arith.extui %bitcast_convert_type3A_65 : vector<1000x16xi16> to vector<1000x16xi32>
    %shift_left3A = arith.constant 16 : i32
    %shift_left3A_67 = vector.broadcast %shift_left3A : i32 to vector<1000x16xi32>
    %shift_left3A_68 = arith.shli %convert_element_type3A_66, %shift_left3A_67 : vector<1000x16xi32>
    %or3A = arith.ori %shift_left3A_68, %convert_element_type3A_63 : vector<1000x16xi32>
    %slice3A_69 = vector.extract_strided_slice %convert_element_type3A {offsets = [0, 32], sizes = [1000, 16], strides = [1, 1]} : vector<1000x128xbf16> to vector<1000x16xbf16>
    %bitcast_convert_type3A_70 = tpu.bitcast %slice3A_69 : vector<1000x16xbf16> -> vector<1000x16xi16>
    %convert_element_type3A_71 = arith.extui %bitcast_convert_type3A_70 : vector<1000x16xi16> to vector<1000x16xi32>
    %slice3A_72 = vector.extract_strided_slice %convert_element_type3A {offsets = [0, 48], sizes = [1000, 16], strides = [1, 1]} : vector<1000x128xbf16> to vector<1000x16xbf16>
    %bitcast_convert_type3A_73 = tpu.bitcast %slice3A_72 : vector<1000x16xbf16> -> vector<1000x16xi16>
    %convert_element_type3A_74 = arith.extui %bitcast_convert_type3A_73 : vector<1000x16xi16> to vector<1000x16xi32>
    %shift_left3A_75 = arith.constant 16 : i32
    %shift_left3A_76 = vector.broadcast %shift_left3A_75 : i32 to vector<1000x16xi32>
    %shift_left3A_77 = arith.shli %convert_element_type3A_74, %shift_left3A_76 : vector<1000x16xi32>
    %or3A_78 = arith.ori %shift_left3A_77, %convert_element_type3A_71 : vector<1000x16xi32>
    %slice3A_79 = vector.extract_strided_slice %convert_element_type3A {offsets = [0, 64], sizes = [1000, 16], strides = [1, 1]} : vector<1000x128xbf16> to vector<1000x16xbf16>
    %bitcast_convert_type3A_80 = tpu.bitcast %slice3A_79 : vector<1000x16xbf16> -> vector<1000x16xi16>
    %convert_element_type3A_81 = arith.extui %bitcast_convert_type3A_80 : vector<1000x16xi16> to vector<1000x16xi32>
    %slice3A_82 = vector.extract_strided_slice %convert_element_type3A {offsets = [0, 80], sizes = [1000, 16], strides = [1, 1]} : vector<1000x128xbf16> to vector<1000x16xbf16>
    %bitcast_convert_type3A_83 = tpu.bitcast %slice3A_82 : vector<1000x16xbf16> -> vector<1000x16xi16>
    %convert_element_type3A_84 = arith.extui %bitcast_convert_type3A_83 : vector<1000x16xi16> to vector<1000x16xi32>
    %shift_left3A_85 = arith.constant 16 : i32
    %shift_left3A_86 = vector.broadcast %shift_left3A_85 : i32 to vector<1000x16xi32>
    %shift_left3A_87 = arith.shli %convert_element_type3A_84, %shift_left3A_86 : vector<1000x16xi32>
    %or3A_88 = arith.ori %shift_left3A_87, %convert_element_type3A_81 : vector<1000x16xi32>
    %slice3A_89 = vector.extract_strided_slice %convert_element_type3A {offsets = [0, 96], sizes = [1000, 16], strides = [1, 1]} : vector<1000x128xbf16> to vector<1000x16xbf16>
    %bitcast_convert_type3A_90 = tpu.bitcast %slice3A_89 : vector<1000x16xbf16> -> vector<1000x16xi16>
    %convert_element_type3A_91 = arith.extui %bitcast_convert_type3A_90 : vector<1000x16xi16> to vector<1000x16xi32>
    %slice3A_92 = vector.extract_strided_slice %convert_element_type3A {offsets = [0, 112], sizes = [1000, 16], strides = [1, 1]} : vector<1000x128xbf16> to vector<1000x16xbf16>
    %bitcast_convert_type3A_93 = tpu.bitcast %slice3A_92 : vector<1000x16xbf16> -> vector<1000x16xi16>
    %convert_element_type3A_94 = arith.extui %bitcast_convert_type3A_93 : vector<1000x16xi16> to vector<1000x16xi32>
    %shift_left3A_95 = arith.constant 16 : i32
    %shift_left3A_96 = vector.broadcast %shift_left3A_95 : i32 to vector<1000x16xi32>
    %shift_left3A_97 = arith.shli %convert_element_type3A_94, %shift_left3A_96 : vector<1000x16xi32>
    %or3A_98 = arith.ori %shift_left3A_97, %convert_element_type3A_91 : vector<1000x16xi32>
    %concatenate3A = tpu.concatenate %or3A, %or3A_78, %or3A_88, %or3A_98 in 1 : vector<1000x16xi32>, vector<1000x16xi32>, vector<1000x16xi32>, vector<1000x16xi32> -> vector<1000x64xi32>
    %swap3A_99 = arith.constant 0 : index
    %swap3A_100 = arith.constant 0 : index
    %swap3A_101 = vector.load %arg7[%swap3A_99, %swap3A_100] : memref<1000x64xi32, #tpu.memory_space<vmem>>, vector<1000x64xi32>
    tpu.vector_store %arg7[%swap3A_99, %swap3A_100], %concatenate3A {strides = array<i32>} : memref<1000x64xi32, #tpu.memory_space<vmem>>, vector<1000x64xi32>,
    return
  }
  func.func @transform_0(%arg0: i32) -> (i32, i32) {
    %c0_i32 = arith.constant 0 : i32
    %c0_i32_0 = arith.constant 0 : i32
    return %arg0, %c0_i32 : i32, i32
  }
  func.func @transform_1(%arg0: i32) -> (i32, i32) {
    %add3A = arith.constant 10 : i32
    %add3A_0 = arith.addi %arg0, %add3A : i32
    %c0_i32 = arith.constant 0 : i32
    %c0_i32_1 = arith.constant 0 : i32
    return %add3A_0, %c0_i32 : i32, i32
  }
  func.func @transform_2(%arg0: i32) -> (i32, i32) {
    %c0_i32 = arith.constant 0 : i32
    %c0_i32_0 = arith.constant 0 : i32
    %c0_i32_1 = arith.constant 0 : i32
    return %c0_i32, %c0_i32_0 : i32, i32
  }
  func.func @transform_3(%arg0: i32) -> (i32, i32) {
    %c0_i32 = arith.constant 0 : i32
    %c0_i32_0 = arith.constant 0 : i32
    %c0_i32_1 = arith.constant 0 : i32
    return %c0_i32, %c0_i32_0 : i32, i32
  }
  func.func @transform_4(%arg0: i32) -> (i32, i32) {
    %c0_i32 = arith.constant 0 : i32
    %c0_i32_0 = arith.constant 0 : i32
    %c0_i32_1 = arith.constant 0 : i32
    return %c0_i32, %c0_i32_0 : i32, i32
  }
  func.func @transform_5(%arg0: i32) -> (i32, i32) {
    %c0_i32 = arith.constant 0 : i32
    %c0_i32_0 = arith.constant 0 : i32
    return %arg0, %c0_i32 : i32, i32
  }
  func.func @transform_6(%arg0: i32) -> (i32, i32) {
    %c0_i32 = arith.constant 0 : i32
    %c0_i32_0 = arith.constant 0 : i32
    return %arg0, %c0_i32 : i32, i32
  }
}

module attributes {stable_mosaic.version = 14 : i64} {
  func.func @_tc3_body(%arg0: i32, %arg1: memref<1000x128xf32, #tpu.memory_space<vmem>>, %arg2: memref<1000x128xf32, #tpu.memory_space<vmem>>, %arg3: memref<1000x128xf32, #tpu.memory_space<vmem>>, %arg4: memref<1x4xf32, #tpu.memory_space<smem>>, %arg5: memref<1000x128xf32, #tpu.memory_space<vmem>>) attributes {dimension_semantics = [#tpu.dimension_semantics<arbitrary>], iteration_bounds = array<i64: 10>, scalar_prefetch = 0 : i64, scratch_operands = 0 : i64, tpu.core_type = #tpu.core_type<tc>, window_params = [{transform_indices = @transform_0, window_bounds = array<i64: 1000, 128>}, {transform_indices = @transform_1, window_bounds = array<i64: 1000, 128>}, {transform_indices = @transform_2, window_bounds = array<i64: 1000, 128>}, {transform_indices = @transform_3, window_bounds = array<i64: 1, 4>}, {transform_indices = @transform_4, window_bounds = array<i64: 1000, 128>}]} {
    %get3A = arith.constant 0 : index
    %get3A_0 = arith.constant 0 : index
    %get3A_1 = vector.load %arg1[%get3A, %get3A_0] : memref<1000x128xf32, #tpu.memory_space<vmem>>, vector<1000x128xf32>
    %get3A_2 = arith.constant 0 : index
    %get3A_3 = arith.constant 0 : index
    %get3A_4 = vector.load %arg2[%get3A_2, %get3A_3] : memref<1000x128xf32, #tpu.memory_space<vmem>>, vector<1000x128xf32>
    %add3A = arith.addf %get3A_1, %get3A_4 : vector<1000x128xf32>
    %slice3A = vector.extract_strided_slice %add3A {offsets = [0, 0], sizes = [1000, 1], strides = [1, 1]} : vector<1000x128xf32> to vector<1000x1xf32>
    %mul3A = arith.constant 2.000000e+00 : f32
    %mul3A_5 = vector.broadcast %mul3A : f32 to vector<1000x1xf32>
    %mul3A_6 = arith.mulf %mul3A_5, %slice3A : vector<1000x1xf32>
    %mul3A_7 = arith.mulf %mul3A_6, %slice3A : vector<1000x1xf32>
    %mul3A_8 = arith.mulf %add3A, %add3A : vector<1000x128xf32>
    %reduce_sum3A = arith.constant dense<0.000000e+00> : vector<1000xf32>
    %reduce_sum3A_9 = vector.multi_reduction <add>, %mul3A_8, %reduce_sum3A [1] : vector<1000x128xf32> to vector<1000xf32>
    %broadcast_in_dim3A = vector.shape_cast %reduce_sum3A_9 : vector<1000xf32> to vector<1000x1xf32>
    %sub3A = arith.subf %mul3A_7, %broadcast_in_dim3A : vector<1000x1xf32>
    %abs3A = math.absf %sub3A : vector<1000x1xf32>
    %max3A = arith.constant 9.99999993E-9 : f32
    %max3A_10 = vector.broadcast %max3A : f32 to vector<1000x1xf32>
    %max3A_11 = arith.maximumf %abs3A, %max3A_10 : vector<1000x1xf32>
    %sqrt3A = math.sqrt %max3A_11 : vector<1000x1xf32>
    %div3A = vector.broadcast %sqrt3A : vector<1000x1xf32> to vector<1000x128xf32>
    %div3A_12 = arith.divf %add3A, %div3A : vector<1000x128xf32>
    %get3A_13 = arith.constant 0 : index
    %get3A_14 = arith.constant 2 : index
    %get3A_15 = memref.load %arg4[%get3A_13, %get3A_14] : memref<1x4xf32, #tpu.memory_space<smem>>
    %get3A_16 = arith.constant 0 : index
    %get3A_17 = arith.constant 0 : index
    %get3A_18 = vector.load %arg3[%get3A_16, %get3A_17] : memref<1000x128xf32, #tpu.memory_space<vmem>>, vector<1000x128xf32>
    %mul3A_19 = vector.broadcast %get3A_15 : f32 to vector<1000x128xf32>
    %mul3A_20 = arith.mulf %mul3A_19, %get3A_18 : vector<1000x128xf32>
    %get3A_21 = arith.constant 0 : index
    %get3A_22 = arith.constant 3 : index
    %get3A_23 = memref.load %arg4[%get3A_21, %get3A_22] : memref<1x4xf32, #tpu.memory_space<smem>>
    %mul3A_24 = vector.broadcast %get3A_23 : f32 to vector<1000x128xf32>
    %mul3A_25 = arith.mulf %mul3A_24, %div3A_12 : vector<1000x128xf32>
    %add3A_26 = arith.addf %mul3A_20, %mul3A_25 : vector<1000x128xf32>
    %slice3A_27 = vector.extract_strided_slice %add3A_26 {offsets = [0, 0], sizes = [1000, 1], strides = [1, 1]} : vector<1000x128xf32> to vector<1000x1xf32>
    %mul3A_28 = arith.constant 2.000000e+00 : f32
    %mul3A_29 = vector.broadcast %mul3A_28 : f32 to vector<1000x1xf32>
    %mul3A_30 = arith.mulf %mul3A_29, %slice3A_27 : vector<1000x1xf32>
    %mul3A_31 = arith.mulf %mul3A_30, %slice3A_27 : vector<1000x1xf32>
    %mul3A_32 = arith.mulf %add3A_26, %add3A_26 : vector<1000x128xf32>
    %reduce_sum3A_33 = arith.constant dense<0.000000e+00> : vector<1000xf32>
    %reduce_sum3A_34 = vector.multi_reduction <add>, %mul3A_32, %reduce_sum3A_33 [1] : vector<1000x128xf32> to vector<1000xf32>
    %broadcast_in_dim3A_35 = vector.shape_cast %reduce_sum3A_34 : vector<1000xf32> to vector<1000x1xf32>
    %sub3A_36 = arith.subf %mul3A_31, %broadcast_in_dim3A_35 : vector<1000x1xf32>
    %abs3A_37 = math.absf %sub3A_36 : vector<1000x1xf32>
    %max3A_38 = arith.constant 9.99999993E-9 : f32
    %max3A_39 = vector.broadcast %max3A_38 : f32 to vector<1000x1xf32>
    %max3A_40 = arith.maximumf %abs3A_37, %max3A_39 : vector<1000x1xf32>
    %sqrt3A_41 = math.sqrt %max3A_40 : vector<1000x1xf32>
    %div3A_42 = vector.broadcast %sqrt3A_41 : vector<1000x1xf32> to vector<1000x128xf32>
    %div3A_43 = arith.divf %add3A_26, %div3A_42 : vector<1000x128xf32>
    %swap3A = arith.constant 0 : index
    %swap3A_44 = arith.constant 0 : index
    %swap3A_45 = vector.load %arg5[%swap3A, %swap3A_44] : memref<1000x128xf32, #tpu.memory_space<vmem>>, vector<1000x128xf32>
    tpu.vector_store %arg5[%swap3A, %swap3A_44], %div3A_43 {strides = array<i32>} : memref<1000x128xf32, #tpu.memory_space<vmem>>, vector<1000x128xf32>,
    return
  }
  func.func @transform_0(%arg0: i32) -> (i32, i32) {
    %c0_i32 = arith.constant 0 : i32
    %c0_i32_0 = arith.constant 0 : i32
    return %arg0, %c0_i32 : i32, i32
  }
  func.func @transform_1(%arg0: i32) -> (i32, i32) {
    %add3A = arith.constant 10 : i32
    %add3A_0 = arith.addi %arg0, %add3A : i32
    %c0_i32 = arith.constant 0 : i32
    %c0_i32_1 = arith.constant 0 : i32
    return %add3A_0, %c0_i32 : i32, i32
  }
  func.func @transform_2(%arg0: i32) -> (i32, i32) {
    %c0_i32 = arith.constant 0 : i32
    %c0_i32_0 = arith.constant 0 : i32
    return %arg0, %c0_i32 : i32, i32
  }
  func.func @transform_3(%arg0: i32) -> (i32, i32) {
    %c0_i32 = arith.constant 0 : i32
    %c0_i32_0 = arith.constant 0 : i32
    %c0_i32_1 = arith.constant 0 : i32
    return %c0_i32, %c0_i32_0 : i32, i32
  }
  func.func @transform_4(%arg0: i32) -> (i32, i32) {
    %c0_i32 = arith.constant 0 : i32
    %c0_i32_0 = arith.constant 0 : i32
    return %arg0, %c0_i32 : i32, i32
  }
}

</mosaic_0001>

<sc_bundles>
// kernel: kernel.10.cloned.1.call-start
scs
__scs_entry_jumppad:
0x0: {  	(pc) =	sbr.rel $0x88, $3  }
0x1: {  	(tag) =	ssettag $0x0;
	lr =	simm.s32 $0x1  }
0x2: {  	[smem:$0x3F97] =	sst lr;
	_ =	strace $0xD0000000  }
0x3: {  	_ = 	snop  }
0x4: {  	_ = 	snop  }
0x5: {  	_ = 	snop  }
0x6: {  	_ = 	snop  }
0x7: {  	_ = 	snop  }
__scs_overlays_trampoline_lowered:
0x8: {  	[smem:$0x3FA6] =	sst s0  }
0x9: {  	[smem:$0x3FA7] =	sst s1  }
0xa: {  	[smem:$0x3FA8] =	sst s2  }
0xb: {  	[smem:$0x3FA9] =	sst s3  }
0xc: {  	[smem:$0x3FAA] =	sst s4  }
0xd: {  	[smem:$0x3FAB] =	sst s5  }
0xe: {  	[smem:$0x3FAC] =	sst s6  }
0xf: {  	[smem:$0x3FAD] =	sst s7  }
0x10: {  	[smem:$0x3FAE] =	sst s8  }
0x11: {  	[smem:$0x3FAF] =	sst s9;
	s0 =	simm.s32 @!p0 $0x0  }
0x12: {  	s1 =	sld [smem:$0x3F95];
	s0 =	simm.s32 @p0 $0x1  }
0x13: {  	[smem:$0x3FB0] =	sst s0;
	s0 =	simm.s32 @!p1 $0x0  }
0x14: {  	s2 =	sld [smem:$0x3F94];
	s0 =	simm.s32 @p1 $0x1  }
0x15: {  	[smem:$0x3FB1] =	sst s0;
	s0 =	simm.s32 @!p2 $0x0  }
0x16: {  	s3 =	sld [smem:$0x3FDB];
	s0 =	simm.s32 @p2 $0x1  }
0x17: {  	s4 =	simm.s32 $0x1BF5;
	[smem:$0x3FB3] =	sst s0  }
0x18: {  	s0 =	sld [smem:$0x3F96];
	_ =	swait.ge [sflag:s4], $0x0  }
0x19: {  	s7 =	sld [smem:$0x3F97]  }
0x1a: {  	s8 =	sadd.s32 $0xFFFFE003, lr  }
0x1b: {  	s9 =	sadd.s32 $0xFFFFFEF7, lr;
	s5 =	simm.s32 $0xFFFFFFFF;
	p2 =	slt.u32 s8, $0xFFFFF086  }
0x1c: {  	p1 =	slt.u32 s9, $0xF7A;
	s5 =	simm.s32 @!p2 $0x0  }
0x1d: {  	s5 =	simm.s32 @p1 $0x1;
	p0 =	seq.s32 s7, s2  }
0x1e: {  	s7 =	smul.u32 @!p0 $0xF7A, s2;
	p2 =	seq.s32 @!p0 s5, $0x0  }
0x1f: {  	s9 =	smul.u32 $0xF7A, s1;
	s8 =	simm.s32 @!p0 $0x1BF5;
	p2 =	por !p2, p0  }
0x20: {  	[sflag:s8] =	ssyncset.s32 @!p0 $0xFFFFF086;
	s6 =	sadd.s32 @!p0 s3, s7;
	s7 =	simm.s32 @!p0 $0x108  }
0x21: {  	s3 =	sadd.s32 s3, s9;
	s6 =	sadd.s32 @!p0 $0x88, s6;
	s7 =	simm.s32 @p2 $0x1082  }
0x22: {  	[simem:s7], [sflag:s8] =	dma.local @!p0 [hbm:s6], $0xF7A  }
0x23: {  	s9 =	sor.u32 $0xD0000000, s2;
	s6 =	simm.s32 $0x108;
	_ =	swait.ge @!p0 [sflag:s8], $0x0  }
0x24: {  	s3 =	sadd.s32 $0x88, s3;
	s6 =	simm.s32 @!p1 $0x1082;
	[sflag:s4] =	ssyncset.s32 $0xFFFFF086  }
0x25: {  	[simem:s6], [sflag:s4] =	dma.local [hbm:s3], $0xF7A  }
0x26: {  	[smem:$0x3F97] =	sst s1;
	(tag) =	ssettag s2;
	_ =	strace s9  }
0x27: {  	s1 =	sld [smem:$0x3FA7]  }
0x28: {  	s2 =	sld [smem:$0x3FA8]  }
0x29: {  	s4 =	sld [smem:$0x3FAA]  }
0x2a: {  	p0 =	seq.s32 s5, $0x0;
	s5 =	sld [smem:$0x3FAB]  }
0x2b: {  	s6 =	sld [smem:$0x3FAC]  }
0x2c: {  	s7 =	sld [smem:$0x3FAD]  }
0x2d: {  	s3 =	simm.s32 $0x108;
	s8 =	sld [smem:$0x3FAE]  }
0x2e: {  	s3 =	simm.s32 @!p0 $0x1082;
	s9 =	sld [smem:$0x3FAF]  }
0x2f: {  	lr =	sadd.s32 s0, s3;
	s0 =	sld [smem:$0x3FA6]  }
0x30: {  	s3 =	sld [smem:$0x3FA9]  }
0x31: {  	[smem:$0x3FB2] =	sst s10  }
0x32: {  	s10 =	sld [smem:$0x3FB0];
	_ =	sdelay $0x3  }
0x33: {  	p0 =	seq.s32 s10, $0x1;
	s10 =	sld [smem:$0x3FB2];
	_ =	sdelay $0x3  }
0x34: {  	[smem:$0x3FB2] =	sst s10  }
0x35: {  	s10 =	sld [smem:$0x3FB1];
	_ =	sdelay $0x3  }
0x36: {  	p1 =	seq.s32 s10, $0x1;
	s10 =	sld [smem:$0x3FB2];
	_ =	sdelay $0x3  }
0x37: {  	[smem:$0x3FB2] =	sst s10  }
0x38: {  	s10 =	sld [smem:$0x3FB3]  }
0x39: {  	_ = 	snop;
	(pc) =	sbr.ind lr, $3  }
0x3a: {  	_ = 	snop  }
0x3b: {  	_ = 	snop  }
0x3c: {  	p2 =	seq.s32 s10, $0x1;
	s10 =	sld [smem:$0x3FB2]  }
0x3d: {  	_ =	shalt  }
0x3e: {  	_ =	shalt  }
0x3f: {  	_ =	shalt  }
0x40: {  	_ =	shalt  }
0x41: {  	_ =	shalt  }
0x42: {  	_ =	shalt  }
0x43: {  	_ =	shalt  }
0x44: {  	_ =	shalt  }
0x45: {  	_ =	shalt  }
0x46: {  	_ =	shalt  }
0x47: {  	_ =	shalt  }
0x48: {  	_ =	shalt  }
0x49: {  	_ =	shalt  }
0x4a: {  	_ =	shalt  }
0x4b: {  	_ =	shalt  }
0x4c: {  	_ =	shalt  }
0x4d: {  	_ =	shalt  }
0x4e: {  	_ =	shalt  }
0x4f: {  	_ =	shalt  }
0x50: {  	_ =	shalt  }
0x51: {  	_ =	shalt  }
0x52: {  	_ =	shalt  }
0x53: {  	_ =	shalt  }
0x54: {  	_ =	shalt  }
0x55: {  	_ =	shalt  }
0x56: {  	_ =	shalt  }
0x57: {  	_ =	shalt  }
0x58: {  	_ =	shalt  }
0x59: {  	_ =	shalt  }
0x5a: {  	_ =	shalt  }
0x5b: {  	_ =	shalt  }
0x5c: {  	_ =	shalt  }
0x5d: {  	_ =	shalt  }
0x5e: {  	_ =	shalt  }
0x5f: {  	_ =	shalt  }
0x60: {  	_ =	shalt  }
0x61: {  	_ =	shalt  }
0x62: {  	_ =	shalt  }
0x63: {  	_ =	shalt  }
0x64: {  	_ =	shalt  }
0x65: {  	_ =	shalt  }
0x66: {  	_ =	shalt  }
0x67: {  	_ =	shalt  }
0x68: {  	_ =	shalt  }
0x69: {  	_ =	shalt  }
0x6a: {  	_ =	shalt  }
0x6b: {  	_ =	shalt  }
0x6c: {  	_ =	shalt  }
0x6d: {  	_ =	shalt  }
0x6e: {  	_ =	shalt  }
0x6f: {  	_ =	shalt  }
0x70: {  	_ =	shalt  }
0x71: {  	_ =	shalt  }
0x72: {  	_ =	shalt  }
0x73: {  	_ =	shalt  }
0x74: {  	_ =	shalt  }
0x75: {  	_ =	shalt  }
0x76: {  	_ =	shalt  }
0x77: {  	_ =	shalt  }
0x78: {  	_ =	shalt  }
0x79: {  	_ =	shalt  }
0x7a: {  	_ =	shalt  }
0x7b: {  	_ =	shalt  }
0x7c: {  	_ =	shalt  }
0x7d: {  	_ =	shalt  }
0x7e: {  	_ =	shalt  }
0x7f: {  	_ =	shalt  }
0x80: {  	_ =	shalt  }
0x81: {  	_ =	shalt  }
0x82: {  	_ =	shalt  }
0x83: {  	_ =	shalt  }
0x84: {  	_ =	shalt  }
0x85: {  	_ =	shalt  }
0x86: {  	_ =	shalt  }
0x87: {  	_ =	shalt  }
.Lfunc_end0:
.L_simem_size_0:
called_computation.1_lowered:
.L_overlay_start_0:
0x88: {  	s2 =	sld [smem:$0x3FD9]  }
0x89: {  	s3 =	sld [smem:$0x3FFE];
	_ =	sdelay $0x1  }
0x8a: {  	s1 =	srdreg.scid  }
0x8b: {  	s0 =	sand.u32 $0x1, s1  }
0x8c: {  	s17 =	sshll.u32 s0, $0xA;
	s2 =	sadd.s32 s3, s2  }
0x8d: {  	s2 =	sadd.s32 s2, s17  }
0x8e: {  	[smem:$0x3FBE] =	sst s2  }
0x8f: {  	_ = 	snop  }
0x90: {  	s2 =	sld [smem:$0x3FD0];
	(tm) =	ssettm $0x1  }
0x91: {  	s18 =	sld [smem:$0x3FFB];
	_ =	sdelay $0x3  }
0x92: {  	_ =	strace s18  }
0x93: {  	s3 =	sld [smem:$0x3FFC];
	_ =	sdelay $0x3  }
0x94: {  	_ =	strace s3  }
0x95: {  	s3 =	sld [smem:$0x3FFD];
	_ =	sdelay $0x3  }
0x96: {  	_ =	strace s3  }
0x97: {  	_ =	strace $0x8FFFFFFF  }
0x98: {  	s19 =	sld [smem:$0x3FDB];
	_ =	sdelay $0x1  }
0x99: {  	s4 =	simm.s32 $_scs_section_size  }
0x9a: {  	s5 =	simm.s32 $_size__tile_overlayer_lowered;
	s6 =	simm.s32 $_tile_overlayer_lowered  }
0x9b: {  	s22 =	simm.s32 $0x1BFF;
	s21 =	sshll.u32 s6, $0x1;
	s3 =	sadd.s32 s4, s19  }
0x9c: {  	s7 =	simm.s32 $0x0;
	s20 =	sshll.u32 s5, $0x1;
	s5 =	sadd.s32 s21, s3  }
0x9d: {  	[timem:s7], [sflag:s22] =	dma.local [hbm:s5], s20  }
0x9e: {  	_ =	swait.ge [sflag:s22], s20  }
0x9f: {  	s4 =	ssub.s32 $0x0, s20;
	[sflag:s22] =	ssyncset.done $0x0  }
0xa0: {  	[sflag:s22] =	ssyncadd.s32 s4;
	_ =	sdelay $0x1  }
0xa1: {  	s23 =	simm.s32 $0x1B8B  }
0xa2: {  	_ =	swait.ge [sflag:s23], $0x1  }
0xa3: {  	[sflag:s23] =	ssyncset.done $0x0  }
0xa4: {  	s25 =	simm.s32 $0x1B8E;
	s24 =	sld [smem:$0x3FFE];
	[sflag:s23] =	ssyncadd.s32 $0xFFFFFFFF  }
0xa5: {  	s26 =	simm.s32 $execute0_lowered;
	[smem:$0x3FD2] =	sst s25  }
0xa6: {  	s5 =	sshll.u32 s26, $0x1;
	_ =	strace $0x80000049;
	[dreg:$0x1] =	wrdreg $0xFFFFFFFF  }
0xa7: {  	s28 =	simm.s32 $_size_execute0_lowered;
	s3 =	sadd.s32 s3, s5;
	[dreg:$0x0] =	wrdreg $0x0  }
0xa8: {  	s5 =	sshll.u32 s28, $0x1;
	[dreg:$0x2] =	wrdreg s3  }
0xa9: {  	[dreg:$0x3] =	wrdreg s5  }
0xaa: {  	[dreg:$0x4] =	wrdreg $0xC0  }
0xab: {  	_ =	task [dreg:s7], $0x5FFFF  }
0xac: {  	[dreg:$0x1] =	wrdreg $0xFFFFFFFF  }
0xad: {  	[dreg:$0x0] =	wrdreg $0x60  }
0xae: {  	[dreg:$0x2] =	wrdreg s24  }
0xaf: {  	[dreg:$0x3] =	wrdreg s2  }
0xb0: {  	[dreg:$0x4] =	wrdreg $0xC6200  }
0xb1: {  	[dreg:$0x5] =	wrdreg $0x9  }
0xb2: {  	_ =	task.clear_ibuf [dreg:s7], $0x6FFFF;
	_ =	strace $0x90000049  }
0xb3: {  	s29 =	simm.s32 $0x9;
	_ =	strace $0x8000004B  }
0xb4: {  	_ =	swait.ge [sflag:s29], $0x1  }
0xb5: {  	[sflag:s29] =	ssyncadd.s32 $0xFFFFFFFF  }
0xb6: {  	_ =	strace $0x9000004B  }
0xb7: {  	_ =	sfence  }
0xb8: {  	s30 =	sld [smem:$0x0];
	_ =	sdelay $0x2  }
0xb9: {  	s31 =	sshll.u32 s1, $0xD;
	s1 =	sshrl.u32 s1, $0x2  }
0xba: {  	s3 =	sand.u32 $0x4000, s31;
	s1 =	sadd.s32 s1, s30  }
0xbb: {  	s0 =	sor.u32 s3, s0;
	s1 =	sshll.u32 s1, $0x11  }
0xbc: {  	s0 =	sor.u32 s1, s0  }
0xbd: {  	s0 =	sadd.s32 $0x8F2B, s0  }
0xbe: {  	[sflag:s0] =	ssyncadd.remote.s32 $0x1  }
0xbf: {  	_ =	sfence.sel $0xFFFF  }
0xc0: {  	[dreg:$0x0] =	wrdreg $0xFFFFFFFF;
	(pc) =	sbr.abs _section_cstart, $3  }
0xc1: {  	[dreg:$0x1] =	wrdreg $0xFFFFFFFF  }
0xc2: {  	_ =	task.clear_ibuf [dreg:s7], $0x2FFFF;
	_ =	strace $0x9FFFFFFF  }
0xc3: {  	(tm) =	ssettm $0x7FFFFFFF  }
tec
execute0_lowered:
.L_overlay_start_1:
0x0: {  	(tag) =	ssettag $0x1  }
0x1: {  	s7 =	rddreg [dreg:$0x0]  }
0x2: {  	s2 =	rddreg [dreg:$0x1]  }
0x3: {  	s0 =	srdreg.scid;
	s3 =	rddreg [dreg:$0x2]  }
0x4: {  	s4 =	simm.s32 $0x0;
	s12 =	simm.s32 $0x2710;
	s13 =	simm.s32 $0x50  }
0x5: {  	s14 =	simm.s32 $0x4E20;
	s15 =	simm.s32 $0x6220;
	s16 =	simm.s32 $0x1  }
0x6: {  	s17 =	simm.s32 $0x7620;
	s18 =	simm.s32 $0x2;
	s19 =	simm.s32 $0x9E20  }
0x7: {  	s20 =	simm.s32 $0x3;
	s21 =	simm.s32 $0x4DD0;
	s22 =	simm.s32 $0x4  }
0x8: {  	s24 =	simm.s32 $0x0;
	s6 =	sand.u32 $0x1, s0;
	s0 =	stileid.u32  }
0x9: {  	[smem:$0x7FF] =	sst s4;
	s5 =	sadd.s32 $0x15000, s7;
	s9 =	smul.u32 $0x27100, s6  }
0xa: {  	s1 =	sshll.u32 s6, $0x4;
	s10 =	smul.u32 $0x3E80, s0;
	s6 =	ssub.s32 $0x2, s6  }
0xb: {  	s30 =	smul.u32 $0x7D000, s0;
	p0 =	sne.s32 s0, $0x0;
	s1 =	sor.u32 s0, s1  }
0xc: {  	p1 =	sgt.u32 s0, $0x9;
	s29 =	sshrl.u32 s6, $0x1;
	s8 =	smul.u32 $0x4E2, s1  }
0xd: {  	s1 =	rddreg [dreg:$0x3];
	_ =	strace $0x8000004A;
	s9 =	sadd.s32 s10, s9  }
0xe: {  	s11 =	ssub.s32 s6, s29;
	s31 =	sshrl.u32 s30, $0x2;
	s10 =	sshrl.u32 @!p0 s3, $0x3  }
0xf: {  	s9 =	sadd.s32 s9, s7;
	s23 =	sadd.s32 s31, s3;
	s8 =	sadd.s32 s8, s7  }
0x10: {  	s23 =	sshrl.u32 @!p1 s23, $0x3;
	s6 =	sadd.s32 $0xB200, s8;
	s7 =	sadd.s32 $0x1400, s8  }
0x11: {  	s8 =	sadd.s32 $0x28A00, s9;
	s9 =	smax.u32 s11, $0x1;
	s11 =	simm.s32 $0x5  }
.LBB2_1:
0x12: {  	s25 =	simm.s32 @!p0 $0x1C05  }
0x13: {  	[spmem:s10], [sflag:s25] =	dma.local @!p0 [hbm:s2], $0x27100  }
0x14: {  	s25 =	simm.s32 @!p0 $0x5  }
0x15: {  	_ =	swait.ge @!p0 [sflag:s25], $0x27100  }
0x16: {  	[sflag:s25] =	ssyncset.done @!p0 $0x0  }
0x17: {  	[sflag:s25] =	ssyncadd.s32 @!p0 $0xFFFD8F00  }
0x18: {  	[tilespmem:s4], [sflag:$0x5] =	stream.linear.gather [hbm4b:s6+s4], $0x2710, $0x38;
	[tilespmem:$0x1FEA0] =	vst v63  }
0x19: {  	_ =	swait.ge [sflag:s11], $0x2710  }
0x1a: {  	[sflag:s11] =	ssyncset.done $0x0  }
0x1b: {  	[sflag:s11] =	ssyncadd.s32 $0xFFFFD8F0  }
0x1c: {  	[tilespmem:s12], [sflag:$0x5] =	stream.linear.gather [hbm4b:s7+s4], $0x2710, $0x38;
	[tilespmem:$0x1FEA0] =	vst v63  }
0x1d: {  	_ =	swait.ge [sflag:s11], $0x2710  }
0x1e: {  	[sflag:s11] =	ssyncset.done $0x0  }
0x1f: {  	[sflag:s11] =	ssyncadd.s32 $0xFFFFD8F0  }
0x20: {  	[bflag:$0x0] =	sbarrier.arrive $0xFFFF  }
0x21: {  	[tilespmem:s14], [sflag:$0x1] =	stream.indirect.gather [hbm4b:s5+s13], $0x40, s4, s13, $0xb8;
	[tilespmem:$0x1FEA0] =	vst v63  }
0x22: {  	s25 =	simm.s32 $0x0  }
0x23: {  	[tilespmem:s15], [sflag:$0x2] =	stream.indirect.gather [hbm4b:s5+s13], $0x40, s13, s13, $0xb8;
	[tilespmem:$0x1FEA0] =	vst v63  }
.LBB2_2:
0x24: {  	_ =	swait.ge [sflag:s16], $0x1400  }
0x25: {  	p2 =	seq.s32 s25, $0x0;
	[sflag:s16] =	ssyncset.done $0x0  }
0x26: {  	s26 =	simm.s32 @!p2 $0x3;
	[sflag:s16] =	ssyncadd.s32 $0xFFFFEC00  }
0x27: {  	_ =	swait.ge @!p2 [sflag:s26], $0x2800  }
0x28: {  	[sflag:s26] =	ssyncset.done @!p2 $0x0  }
0x29: {  	s28 =	simm.s32 $0x0;
	[sflag:s26] =	ssyncadd.s32 @!p2 $0xFFFFD800  }
0x2a: {  	v0 =	vld [tilespmem:s28+$0x4E20];
	_ =	sdelay $0x4  }
0x2b: {  	s26 =	simm.s32 $0x7660;
	v1 =	vshll.u32 v0, $0x10  }
0x2c: {  	v0 =	vand.u32 $0xFFFF0000, v0;
	[tilespmem:s26+$0xFFFFFFC0] =	vst v1  }
0x2d: {  	[tilespmem:s26+$0xFFFFFFD0] =	vst v0  }
0x2e: {  	v0 =	vld [tilespmem:s28+$0x4E30];
	_ =	sdelay $0x4  }
0x2f: {  	v1 =	vshll.u32 v0, $0x10  }
0x30: {  	v0 =	vand.u32 $0xFFFF0000, v0;
	[tilespmem:s26+$0xFFFFFFE0] =	vst v1  }
0x31: {  	[tilespmem:s26+$0xFFFFFFF0] =	vst v0  }
0x32: {  	v0 =	vld [tilespmem:s28+$0x4E40];
	_ =	sdelay $0x4  }
0x33: {  	v1 =	vand.u32 $0xFFFF0000, v0  }
0x34: {  	v0 =	vshll.u32 v0, $0x10;
	[tilespmem:s26+$0x10] =	vst v1  }
0x35: {  	[tilespmem:s26+$0x0] =	vst v0  }
0x36: {  	v0 =	vld [tilespmem:s28+$0x4E50];
	_ =	sdelay $0x4  }
0x37: {  	v1 =	vshll.u32 v0, $0x10  }
0x38: {  	v0 =	vand.u32 $0xFFFF0000, v0;
	[tilespmem:s26+$0x20] =	vst v1  }
0x39: {  	s28 =	simm.s32 $0x40;
	[tilespmem:s26+$0x30] =	vst v0  }
0x3a: {  	v0 =	vld [tilespmem:s28+$0x4E20]  }
0x3b: {  	s29 =	simm.s32 $0x200  }
.LBB2_3:
0x3c: {  	p3 =	sne.s32 s29, $0x4F00;
	_ =	sdelay $0x2  }
0x3d: {  	s26 =	sadd.s32 $0x80, s26;
	v1 =	vshll.u32 v0, $0x10  }
0x3e: {  	v0 =	vand.u32 $0xFFFF0000, v0;
	[tilespmem:s26+$0xFFFFFFC0] =	vst v1  }
0x3f: {  	[tilespmem:s26+$0xFFFFFFD0] =	vst v0  }
0x40: {  	v0 =	vld [tilespmem:s28+$0x4E30];
	_ =	sdelay $0x4  }
0x41: {  	v1 =	vshll.u32 v0, $0x10  }
0x42: {  	v0 =	vand.u32 $0xFFFF0000, v0;
	[tilespmem:s26+$0xFFFFFFE0] =	vst v1  }
0x43: {  	[tilespmem:s26+$0xFFFFFFF0] =	vst v0  }
0x44: {  	v0 =	vld [tilespmem:s28+$0x4E40];
	_ =	sdelay $0x4  }
0x45: {  	v1 =	vshll.u32 v0, $0x10;
	v0 =	vand.u32 $0xFFFF0000, v0  }
0x46: {  	[tilespmem:s26+$0x10] =	vst v0  }
0x47: {  	[tilespmem:s26+$0x0] =	vst v1  }
0x48: {  	v0 =	vld [tilespmem:s28+$0x4E50];
	_ =	sdelay $0x4  }
.Ltmp0:
0x49: {  	v1 =	vshll.u32 v0, $0x10;
	v0 =	vand.u32 $0xFFFF0000, v0;
	(pc) =	sbr.rel @p3 .LBB2_3-.Ltmp0, $4  }
0x4a: {  	[tilespmem:s26+$0x20] =	vst v1  }
0x4b: {  	s28 =	sshra.s32 s29, $0x2;
	[tilespmem:s26+$0x30] =	vst v0  }
0x4c: {  	v0 =	vld [tilespmem:s28+$0x4E20]  }
0x4d: {  	s29 =	sadd.s32 $0x100, s29  }
0x4e: {  	_ =	sdelay $0x2  }
0x4f: {  	s29 =	sadd.s32 $0x80, s26;
	v1 =	vshll.u32 v0, $0x10  }
0x50: {  	v0 =	vand.u32 $0xFFFF0000, v0;
	[tilespmem:s29+$0xFFFFFFC0] =	vst v1  }
0x51: {  	[tilespmem:s29+$0xFFFFFFD0] =	vst v0  }
0x52: {  	v0 =	vld [tilespmem:s28+$0x4E30];
	_ =	sdelay $0x4  }
0x53: {  	v1 =	vshll.u32 v0, $0x10  }
0x54: {  	v0 =	vand.u32 $0xFFFF0000, v0;
	[tilespmem:s29+$0xFFFFFFE0] =	vst v1  }
0x55: {  	[tilespmem:s29+$0xFFFFFFF0] =	vst v0  }
0x56: {  	v0 =	vld [tilespmem:s28+$0x4E40];
	_ =	sdelay $0x4  }
0x57: {  	v1 =	vand.u32 $0xFFFF0000, v0  }
0x58: {  	v0 =	vshll.u32 v0, $0x10;
	[tilespmem:s29+$0x10] =	vst v1  }
0x59: {  	[tilespmem:s29+$0x0] =	vst v0  }
0x5a: {  	v0 =	vld [tilespmem:s28+$0x4E50];
	_ =	sdelay $0x3  }
0x5b: {  	s31 =	smul.u32 $0x280, s25  }
0x5c: {  	v1 =	vshll.u32 v0, $0x10  }
0x5d: {  	s26 =	sshra.s32 s31, $0x2;
	v0 =	vand.u32 $0xFFFF0000, v0;
	[tilespmem:s29+$0x20] =	vst v1  }
0x5e: {  	s28 =	sadd.s32 $0x2710, s26;
	[tilespmem:s29+$0x30] =	vst v0  }
0x5f: {  	[spmem:s3] =	stream.indirect.scatter.add.f32 [tilespmem:s17], [sflag:$0x3], $0x80, s28, s13, $0xb8;
	[tilespmem:$0x1FEA0] =	vst v63  }
0x60: {  	s28 =	sadd.s32 $0xA0, s26  }
0x61: {  	[tilespmem:s14], [sflag:$0x1] =	stream.indirect.gather [hbm4b:s5+s13], $0x40, s28, s13, $0xb8;
	[tilespmem:$0x1FEA0] =	vst v63  }
0x62: {  	_ =	swait.ge [sflag:s18], $0x1400  }
0x63: {  	[sflag:s18] =	ssyncset.done $0x0  }
0x64: {  	s28 =	simm.s32 @!p2 $0x4;
	[sflag:s18] =	ssyncadd.s32 $0xFFFFEC00  }
0x65: {  	_ =	swait.ge @!p2 [sflag:s28], $0x2800  }
0x66: {  	[sflag:s28] =	ssyncset.done @!p2 $0x0  }
0x67: {  	s29 =	simm.s32 $0x0;
	[sflag:s28] =	ssyncadd.s32 @!p2 $0xFFFFD800  }
0x68: {  	v0 =	vld [tilespmem:s29+$0x6220];
	_ =	sdelay $0x4  }
0x69: {  	s28 =	simm.s32 $0x9E60;
	v1 =	vshll.u32 v0, $0x10  }
0x6a: {  	v0 =	vand.u32 $0xFFFF0000, v0;
	[tilespmem:s28+$0xFFFFFFC0] =	vst v1  }
0x6b: {  	[tilespmem:s28+$0xFFFFFFD0] =	vst v0  }
0x6c: {  	v0 =	vld [tilespmem:s29+$0x6230];
	_ =	sdelay $0x4  }
0x6d: {  	v1 =	vshll.u32 v0, $0x10  }
0x6e: {  	v0 =	vand.u32 $0xFFFF0000, v0;
	[tilespmem:s28+$0xFFFFFFE0] =	vst v1  }
0x6f: {  	[tilespmem:s28+$0xFFFFFFF0] =	vst v0  }
0x70: {  	v0 =	vld [tilespmem:s29+$0x6240];
	_ =	sdelay $0x4  }
0x71: {  	v1 =	vand.u32 $0xFFFF0000, v0  }
0x72: {  	v0 =	vshll.u32 v0, $0x10;
	[tilespmem:s28+$0x10] =	vst v1  }
0x73: {  	[tilespmem:s28+$0x0] =	vst v0  }
0x74: {  	v0 =	vld [tilespmem:s29+$0x6250];
	_ =	sdelay $0x4  }
0x75: {  	v1 =	vshll.u32 v0, $0x10  }
0x76: {  	v0 =	vand.u32 $0xFFFF0000, v0;
	[tilespmem:s28+$0x20] =	vst v1  }
0x77: {  	s29 =	simm.s32 $0x40;
	[tilespmem:s28+$0x30] =	vst v0  }
0x78: {  	v0 =	vld [tilespmem:s29+$0x6220]  }
0x79: {  	s30 =	simm.s32 $0x200  }
.LBB2_5:
0x7a: {  	p2 =	sne.s32 s30, $0x4F00;
	_ =	sdelay $0x2  }
0x7b: {  	s28 =	sadd.s32 $0x80, s28;
	v1 =	vshll.u32 v0, $0x10  }
0x7c: {  	v0 =	vand.u32 $0xFFFF0000, v0;
	[tilespmem:s28+$0xFFFFFFC0] =	vst v1  }
0x7d: {  	[tilespmem:s28+$0xFFFFFFD0] =	vst v0  }
0x7e: {  	v0 =	vld [tilespmem:s29+$0x6230];
	_ =	sdelay $0x4  }
0x7f: {  	v1 =	vshll.u32 v0, $0x10  }
0x80: {  	v0 =	vand.u32 $0xFFFF0000, v0;
	[tilespmem:s28+$0xFFFFFFE0] =	vst v1  }
0x81: {  	[tilespmem:s28+$0xFFFFFFF0] =	vst v0  }
0x82: {  	v0 =	vld [tilespmem:s29+$0x6240];
	_ =	sdelay $0x4  }
0x83: {  	v1 =	vshll.u32 v0, $0x10;
	v0 =	vand.u32 $0xFFFF0000, v0  }
0x84: {  	[tilespmem:s28+$0x10] =	vst v0  }
0x85: {  	[tilespmem:s28+$0x0] =	vst v1  }
0x86: {  	v0 =	vld [tilespmem:s29+$0x6250];
	_ =	sdelay $0x4  }
.Ltmp1:
0x87: {  	v1 =	vshll.u32 v0, $0x10;
	v0 =	vand.u32 $0xFFFF0000, v0;
	(pc) =	sbr.rel @p2 .LBB2_5-.Ltmp1, $4  }
0x88: {  	[tilespmem:s28+$0x20] =	vst v1  }
0x89: {  	s29 =	sshra.s32 s30, $0x2;
	[tilespmem:s28+$0x30] =	vst v0  }
0x8a: {  	v0 =	vld [tilespmem:s29+$0x6220]  }
0x8b: {  	s30 =	sadd.s32 $0x100, s30  }
0x8c: {  	_ =	sdelay $0x2  }
0x8d: {  	s28 =	sadd.s32 $0x80, s28;
	v1 =	vshll.u32 v0, $0x10  }
0x8e: {  	v60 =	vand.u32 $0xFFFF0000, v0;
	[tilespmem:s28+$0xFFFFFFC0] =	vst v1  }
0x8f: {  	[tilespmem:s28+$0xFFFFFFD0] =	vst v60  }
0x90: {  	v0 =	vld [tilespmem:s29+$0x6230];
	_ =	sdelay $0x4  }
0x91: {  	v61 =	vshll.u32 v0, $0x10  }
0x92: {  	v0 =	vand.u32 $0xFFFF0000, v0;
	[tilespmem:s28+$0xFFFFFFE0] =	vst v61  }
0x93: {  	[tilespmem:s28+$0xFFFFFFF0] =	vst v0  }
0x94: {  	v0 =	vld [tilespmem:s29+$0x6240];
	_ =	sdelay $0x4  }
0x95: {  	v62 =	vand.u32 $0xFFFF0000, v0  }
0x96: {  	v0 =	vshll.u32 v0, $0x10;
	[tilespmem:s28+$0x10] =	vst v62  }
0x97: {  	[tilespmem:s28+$0x0] =	vst v0  }
0x98: {  	v0 =	vld [tilespmem:s29+$0x6250];
	_ =	sdelay $0x2  }
0x99: {  	p2 =	seq.s32 s25, $0x3D  }
.Ltmp2:
0x9a: {  	_ = 	snop;
	(pc) =	sbr.rel @p2 .LBB2_8-.Ltmp2, $4  }
0x9b: {  	v63 =	vshll.u32 v0, $0x10  }
0x9c: {  	v0 =	vand.u32 $0xFFFF0000, v0;
	[tilespmem:s28+$0x20] =	vst v63  }
0x9d: {  	s31 =	sadd.s32 $0x2760, s26;
	[tilespmem:s28+$0x30] =	vst v0  }
0x9e: {  	[spmem:s3] =	stream.indirect.scatter.add.f32 [tilespmem:s19], [sflag:$0x4], $0x80, s31, s13, $0xb8;
	[tilespmem:$0x1FEA0] =	vst v63  }
.Ltmp3:
0x9f: {  	(pc) =	sbr.rel .LBB2_2-.Ltmp3, $3  }
0xa0: {  	_ =	sdelay $0x1  }
0xa1: {  	s26 =	sadd.s32 $0xF0, s26;
	s25 =	sadd.s32 $0x1, s25  }
0xa2: {  	[tilespmem:s15], [sflag:$0x2] =	stream.indirect.gather [hbm4b:s5+s13], $0x40, s26, s13, $0xb8;
	[tilespmem:$0x1FEA0] =	vst v63  }
.LBB2_8:
0xa3: {  	_ =	swait.ge [sflag:s16], $0x1400  }
0xa4: {  	[sflag:s16] =	ssyncset.done $0x0  }
0xa5: {  	[sflag:s16] =	ssyncadd.s32 $0xFFFFEC00  }
0xa6: {  	_ =	swait.ge [sflag:s20], $0x2800  }
0xa7: {  	[sflag:s20] =	ssyncset.done $0x0  }
0xa8: {  	s26 =	simm.s32 $0x0;
	[sflag:s20] =	ssyncadd.s32 $0xFFFFD800  }
0xa9: {  	v0 =	vld [tilespmem:s26+$0x4E20];
	_ =	sdelay $0x4  }
0xaa: {  	s25 =	simm.s32 $0x7660;
	v1 =	vshll.u32 v0, $0x10  }
0xab: {  	v0 =	vand.u32 $0xFFFF0000, v0;
	[tilespmem:s25+$0xFFFFFFC0] =	vst v1  }
0xac: {  	[tilespmem:s25+$0xFFFFFFD0] =	vst v0  }
0xad: {  	v0 =	vld [tilespmem:s26+$0x4E30];
	_ =	sdelay $0x4  }
0xae: {  	v1 =	vshll.u32 v0, $0x10  }
0xaf: {  	v0 =	vand.u32 $0xFFFF0000, v0;
	[tilespmem:s25+$0xFFFFFFE0] =	vst v1  }
0xb0: {  	[tilespmem:s25+$0xFFFFFFF0] =	vst v0  }
0xb1: {  	v0 =	vld [tilespmem:s26+$0x4E40];
	_ =	sdelay $0x4  }
0xb2: {  	v1 =	vand.u32 $0xFFFF0000, v0  }
0xb3: {  	v0 =	vshll.u32 v0, $0x10;
	[tilespmem:s25+$0x10] =	vst v1  }
0xb4: {  	[tilespmem:s25+$0x0] =	vst v0  }
0xb5: {  	v0 =	vld [tilespmem:s26+$0x4E50];
	_ =	sdelay $0x4  }
0xb6: {  	v1 =	vshll.u32 v0, $0x10  }
0xb7: {  	v0 =	vand.u32 $0xFFFF0000, v0;
	[tilespmem:s25+$0x20] =	vst v1  }
0xb8: {  	s26 =	simm.s32 $0x40;
	[tilespmem:s25+$0x30] =	vst v0  }
0xb9: {  	v0 =	vld [tilespmem:s26+$0x4E20]  }
0xba: {  	s28 =	simm.s32 $0x200  }
.LBB2_9:
0xbb: {  	p2 =	sne.s32 s28, $0x4F00;
	_ =	sdelay $0x2  }
0xbc: {  	s25 =	sadd.s32 $0x80, s25;
	v1 =	vshll.u32 v0, $0x10  }
0xbd: {  	v0 =	vand.u32 $0xFFFF0000, v0;
	[tilespmem:s25+$0xFFFFFFC0] =	vst v1  }
0xbe: {  	[tilespmem:s25+$0xFFFFFFD0] =	vst v0  }
0xbf: {  	v0 =	vld [tilespmem:s26+$0x4E30];
	_ =	sdelay $0x4  }
0xc0: {  	v1 =	vshll.u32 v0, $0x10  }
0xc1: {  	v0 =	vand.u32 $0xFFFF0000, v0;
	[tilespmem:s25+$0xFFFFFFE0] =	vst v1  }
0xc2: {  	[tilespmem:s25+$0xFFFFFFF0] =	vst v0  }
0xc3: {  	v0 =	vld [tilespmem:s26+$0x4E40];
	_ =	sdelay $0x4  }
0xc4: {  	v1 =	vshll.u32 v0, $0x10;
	v0 =	vand.u32 $0xFFFF0000, v0  }
0xc5: {  	[tilespmem:s25+$0x10] =	vst v0  }
0xc6: {  	[tilespmem:s25+$0x0] =	vst v1  }
0xc7: {  	v0 =	vld [tilespmem:s26+$0x4E50];
	_ =	sdelay $0x4  }
.Ltmp4:
0xc8: {  	v1 =	vshll.u32 v0, $0x10;
	v0 =	vand.u32 $0xFFFF0000, v0;
	(pc) =	sbr.rel @p2 .LBB2_9-.Ltmp4, $4  }
0xc9: {  	[tilespmem:s25+$0x20] =	vst v1  }
0xca: {  	s26 =	sshra.s32 s28, $0x2;
	[tilespmem:s25+$0x30] =	vst v0  }
0xcb: {  	v0 =	vld [tilespmem:s26+$0x4E20]  }
0xcc: {  	s28 =	sadd.s32 $0x100, s28  }
0xcd: {  	_ =	sdelay $0x2  }
0xce: {  	s25 =	sadd.s32 $0x80, s25;
	v1 =	vshll.u32 v0, $0x10  }
0xcf: {  	v60 =	vand.u32 $0xFFFF0000, v0;
	[tilespmem:s25+$0xFFFFFFC0] =	vst v1  }
0xd0: {  	[tilespmem:s25+$0xFFFFFFD0] =	vst v60  }
0xd1: {  	v0 =	vld [tilespmem:s26+$0x4E30];
	_ =	sdelay $0x4  }
0xd2: {  	v61 =	vshll.u32 v0, $0x10  }
0xd3: {  	v0 =	vand.u32 $0xFFFF0000, v0;
	[tilespmem:s25+$0xFFFFFFE0] =	vst v61  }
0xd4: {  	[tilespmem:s25+$0xFFFFFFF0] =	vst v0  }
0xd5: {  	v0 =	vld [tilespmem:s26+$0x4E40];
	_ =	sdelay $0x4  }
0xd6: {  	v62 =	vand.u32 $0xFFFF0000, v0  }
0xd7: {  	v0 =	vshll.u32 v0, $0x10;
	[tilespmem:s25+$0x10] =	vst v62  }
0xd8: {  	[tilespmem:s25+$0x0] =	vst v0  }
0xd9: {  	v0 =	vld [tilespmem:s26+$0x4E50];
	_ =	sdelay $0x4  }
0xda: {  	v63 =	vshll.u32 v0, $0x10  }
0xdb: {  	v0 =	vand.u32 $0xFFFF0000, v0;
	[tilespmem:s25+$0x20] =	vst v63  }
0xdc: {  	[tilespmem:s25+$0x30] =	vst v0  }
0xdd: {  	[spmem:s3] =	stream.indirect.scatter.add.f32 [tilespmem:s17], [sflag:$0x3], $0x80, s21, s13, $0xb8;
	[tilespmem:$0x1FEA0] =	vst v63  }
0xde: {  	_ =	swait.ge [sflag:s20], $0x2800  }
0xdf: {  	[sflag:s20] =	ssyncset.done $0x0  }
0xe0: {  	[sflag:s20] =	ssyncadd.s32 $0xFFFFD800  }
0xe1: {  	_ =	swait.ge [sflag:s22], $0x2800  }
0xe2: {  	[sflag:s22] =	ssyncset.done $0x0  }
0xe3: {  	s24 =	sadd.s32 $0x1, s24;
	s25 =	sshll.u32 @!p1 s0, $0x6;
	[sflag:s22] =	ssyncadd.s32 $0xFFFFD800  }
0xe4: {  	p2 =	sne.s32 s24, s9;
	s25 =	sor.u32 @!p1 $0x1C05, s25;
	[bflag:$0x0] =	sbarrier.arrive $0xFFFF  }
0xe5: {  	[hbm:s8], [sflag:s25] =	dma.local @!p1 [spmem:s23], $0x3E80  }
.Ltmp5:
0xe6: {  	_ = 	snop;
	(pc) =	sbr.rel @p2 .LBB2_1-.Ltmp5, $4  }
0xe7: {  	s25 =	simm.s32 @!p1 $0x5  }
0xe8: {  	_ =	swait.ge @!p1 [sflag:s25], $0x3E80  }
0xe9: {  	[sflag:s25] =	ssyncset.done @!p1 $0x0  }
0xea: {  	[sflag:s25] =	ssyncadd.s32 @!p1 $0xFFFFC180  }
0xeb: {  	_ =	sfence.sel $0x180000  }
0xec: {  	[bflag:$0x0] =	sbarrier.arrive $0xFFFF  }
0xed: {  	_ =	strace $0x9000004A  }
0xee: {  	s0 =	sadd.s32 @!p0 $0x100000, s1;
	[bflag:$0x2] =	sbarrier.arrive $0xFFFF  }
0xef: {  	[sflag:s0] =	ssyncadd.tile.s32 @!p0 $0x1;
	_ =	shalt  }
.Lfunc_end2:
_tile_overlayer_lowered:
.L_overlay_start_2:
0xf0: {  	(tag) =	ssettag $0x2  }
0xf1: {  	s0 =	rddreg [dreg:$0x0];
	s2 =	stileid.u32  }
0xf2: {  	s1 =	rddreg [dreg:$0x1];
	p0 =	sne.s32 s2, $0x0  }
0xf3: {  	s3 =	rddreg [dreg:$0x2];
	[bflag:$0x3] =	sbarrier.arrive $0xFFFF;
	s2 =	simm.s32 @!p0 $0x1C05  }
0xf4: {  	[timem:s3], [sflag:s2] =	dma.local @!p0 [hbm:s0], s1  }
0xf5: {  	s0 =	simm.s32 @!p0 $0x5  }
0xf6: {  	_ =	swait.ge @!p0 [sflag:s0], s1  }
0xf7: {  	s1 =	ssub.s32 @!p0 $0x0, s1;
	[sflag:s0] =	ssyncset.done @!p0 $0x0  }
0xf8: {  	[sflag:s0] =	ssyncadd.s32 @!p0 s1  }
0xf9: {  	[bflag:$0x3] =	sbarrier.arrive $0xFFFF  }
0xfa: {  	_ =	shalt  }

// kernel: kernel.7.cloned.1.call-start
scs
__scs_entry_jumppad:
0x0: {  	(pc) =	sbr.rel $0x88, $3  }
0x1: {  	(tag) =	ssettag $0x0;
	lr =	simm.s32 $0x1  }
0x2: {  	[smem:$0x3F97] =	sst lr;
	_ =	strace $0xD0000000  }
0x3: {  	_ = 	snop  }
0x4: {  	_ = 	snop  }
0x5: {  	_ = 	snop  }
0x6: {  	_ = 	snop  }
0x7: {  	_ = 	snop  }
__scs_overlays_trampoline_lowered:
0x8: {  	[smem:$0x3FA6] =	sst s0  }
0x9: {  	[smem:$0x3FA7] =	sst s1  }
0xa: {  	[smem:$0x3FA8] =	sst s2  }
0xb: {  	[smem:$0x3FA9] =	sst s3  }
0xc: {  	[smem:$0x3FAA] =	sst s4  }
0xd: {  	[smem:$0x3FAB] =	sst s5  }
0xe: {  	[smem:$0x3FAC] =	sst s6  }
0xf: {  	[smem:$0x3FAD] =	sst s7  }
0x10: {  	[smem:$0x3FAE] =	sst s8  }
0x11: {  	[smem:$0x3FAF] =	sst s9;
	s0 =	simm.s32 @!p0 $0x0  }
0x12: {  	s1 =	sld [smem:$0x3F95];
	s0 =	simm.s32 @p0 $0x1  }
0x13: {  	[smem:$0x3FB0] =	sst s0;
	s0 =	simm.s32 @!p1 $0x0  }
0x14: {  	s2 =	sld [smem:$0x3F94];
	s0 =	simm.s32 @p1 $0x1  }
0x15: {  	[smem:$0x3FB1] =	sst s0;
	s0 =	simm.s32 @!p2 $0x0  }
0x16: {  	s3 =	sld [smem:$0x3FDB];
	s0 =	simm.s32 @p2 $0x1  }
0x17: {  	s4 =	simm.s32 $0x1BF5;
	[smem:$0x3FB3] =	sst s0  }
0x18: {  	s0 =	sld [smem:$0x3F96];
	_ =	swait.ge [sflag:s4], $0x0  }
0x19: {  	s7 =	sld [smem:$0x3F97]  }
0x1a: {  	s8 =	sadd.s32 $0xFFFFE003, lr  }
0x1b: {  	s9 =	sadd.s32 $0xFFFFFEF7, lr;
	s5 =	simm.s32 $0xFFFFFFFF;
	p2 =	slt.u32 s8, $0xFFFFF086  }
0x1c: {  	p1 =	slt.u32 s9, $0xF7A;
	s5 =	simm.s32 @!p2 $0x0  }
0x1d: {  	s5 =	simm.s32 @p1 $0x1;
	p0 =	seq.s32 s7, s2  }
0x1e: {  	s7 =	smul.u32 @!p0 $0xF7A, s2;
	p2 =	seq.s32 @!p0 s5, $0x0  }
0x1f: {  	s9 =	smul.u32 $0xF7A, s1;
	s8 =	simm.s32 @!p0 $0x1BF5;
	p2 =	por !p2, p0  }
0x20: {  	[sflag:s8] =	ssyncset.s32 @!p0 $0xFFFFF086;
	s6 =	sadd.s32 @!p0 s3, s7;
	s7 =	simm.s32 @!p0 $0x108  }
0x21: {  	s3 =	sadd.s32 s3, s9;
	s6 =	sadd.s32 @!p0 $0x88, s6;
	s7 =	simm.s32 @p2 $0x1082  }
0x22: {  	[simem:s7], [sflag:s8] =	dma.local @!p0 [hbm:s6], $0xF7A  }
0x23: {  	s9 =	sor.u32 $0xD0000000, s2;
	s6 =	simm.s32 $0x108;
	_ =	swait.ge @!p0 [sflag:s8], $0x0  }
0x24: {  	s3 =	sadd.s32 $0x88, s3;
	s6 =	simm.s32 @!p1 $0x1082;
	[sflag:s4] =	ssyncset.s32 $0xFFFFF086  }
0x25: {  	[simem:s6], [sflag:s4] =	dma.local [hbm:s3], $0xF7A  }
0x26: {  	[smem:$0x3F97] =	sst s1;
	(tag) =	ssettag s2;
	_ =	strace s9  }
0x27: {  	s1 =	sld [smem:$0x3FA7]  }
0x28: {  	s2 =	sld [smem:$0x3FA8]  }
0x29: {  	s4 =	sld [smem:$0x3FAA]  }
0x2a: {  	p0 =	seq.s32 s5, $0x0;
	s5 =	sld [smem:$0x3FAB]  }
0x2b: {  	s6 =	sld [smem:$0x3FAC]  }
0x2c: {  	s7 =	sld [smem:$0x3FAD]  }
0x2d: {  	s3 =	simm.s32 $0x108;
	s8 =	sld [smem:$0x3FAE]  }
0x2e: {  	s3 =	simm.s32 @!p0 $0x1082;
	s9 =	sld [smem:$0x3FAF]  }
0x2f: {  	lr =	sadd.s32 s0, s3;
	s0 =	sld [smem:$0x3FA6]  }
0x30: {  	s3 =	sld [smem:$0x3FA9]  }
0x31: {  	[smem:$0x3FB2] =	sst s10  }
0x32: {  	s10 =	sld [smem:$0x3FB0];
	_ =	sdelay $0x3  }
0x33: {  	p0 =	seq.s32 s10, $0x1;
	s10 =	sld [smem:$0x3FB2];
	_ =	sdelay $0x3  }
0x34: {  	[smem:$0x3FB2] =	sst s10  }
0x35: {  	s10 =	sld [smem:$0x3FB1];
	_ =	sdelay $0x3  }
0x36: {  	p1 =	seq.s32 s10, $0x1;
	s10 =	sld [smem:$0x3FB2];
	_ =	sdelay $0x3  }
0x37: {  	[smem:$0x3FB2] =	sst s10  }
0x38: {  	s10 =	sld [smem:$0x3FB3]  }
0x39: {  	_ = 	snop;
	(pc) =	sbr.ind lr, $3  }
0x3a: {  	_ = 	snop  }
0x3b: {  	_ = 	snop  }
0x3c: {  	p2 =	seq.s32 s10, $0x1;
	s10 =	sld [smem:$0x3FB2]  }
0x3d: {  	_ =	shalt  }
0x3e: {  	_ =	shalt  }
0x3f: {  	_ =	shalt  }
0x40: {  	_ =	shalt  }
0x41: {  	_ =	shalt  }
0x42: {  	_ =	shalt  }
0x43: {  	_ =	shalt  }
0x44: {  	_ =	shalt  }
0x45: {  	_ =	shalt  }
0x46: {  	_ =	shalt  }
0x47: {  	_ =	shalt  }
0x48: {  	_ =	shalt  }
0x49: {  	_ =	shalt  }
0x4a: {  	_ =	shalt  }
0x4b: {  	_ =	shalt  }
0x4c: {  	_ =	shalt  }
0x4d: {  	_ =	shalt  }
0x4e: {  	_ =	shalt  }
0x4f: {  	_ =	shalt  }
0x50: {  	_ =	shalt  }
0x51: {  	_ =	shalt  }
0x52: {  	_ =	shalt  }
0x53: {  	_ =	shalt  }
0x54: {  	_ =	shalt  }
0x55: {  	_ =	shalt  }
0x56: {  	_ =	shalt  }
0x57: {  	_ =	shalt  }
0x58: {  	_ =	shalt  }
0x59: {  	_ =	shalt  }
0x5a: {  	_ =	shalt  }
0x5b: {  	_ =	shalt  }
0x5c: {  	_ =	shalt  }
0x5d: {  	_ =	shalt  }
0x5e: {  	_ =	shalt  }
0x5f: {  	_ =	shalt  }
0x60: {  	_ =	shalt  }
0x61: {  	_ =	shalt  }
0x62: {  	_ =	shalt  }
0x63: {  	_ =	shalt  }
0x64: {  	_ =	shalt  }
0x65: {  	_ =	shalt  }
0x66: {  	_ =	shalt  }
0x67: {  	_ =	shalt  }
0x68: {  	_ =	shalt  }
0x69: {  	_ =	shalt  }
0x6a: {  	_ =	shalt  }
0x6b: {  	_ =	shalt  }
0x6c: {  	_ =	shalt  }
0x6d: {  	_ =	shalt  }
0x6e: {  	_ =	shalt  }
0x6f: {  	_ =	shalt  }
0x70: {  	_ =	shalt  }
0x71: {  	_ =	shalt  }
0x72: {  	_ =	shalt  }
0x73: {  	_ =	shalt  }
0x74: {  	_ =	shalt  }
0x75: {  	_ =	shalt  }
0x76: {  	_ =	shalt  }
0x77: {  	_ =	shalt  }
0x78: {  	_ =	shalt  }
0x79: {  	_ =	shalt  }
0x7a: {  	_ =	shalt  }
0x7b: {  	_ =	shalt  }
0x7c: {  	_ =	shalt  }
0x7d: {  	_ =	shalt  }
0x7e: {  	_ =	shalt  }
0x7f: {  	_ =	shalt  }
0x80: {  	_ =	shalt  }
0x81: {  	_ =	shalt  }
0x82: {  	_ =	shalt  }
0x83: {  	_ =	shalt  }
0x84: {  	_ =	shalt  }
0x85: {  	_ =	shalt  }
0x86: {  	_ =	shalt  }
0x87: {  	_ =	shalt  }
.Lfunc_end0:
.L_simem_size_0:
called_computation_lowered:
.L_overlay_start_0:
0x88: {  	s2 =	sld [smem:$0x3FD9]  }
0x89: {  	s3 =	sld [smem:$0x3FFE];
	_ =	sdelay $0x1  }
0x8a: {  	s1 =	srdreg.scid  }
0x8b: {  	s0 =	sand.u32 $0x1, s1  }
0x8c: {  	s17 =	sshll.u32 s0, $0xA;
	s2 =	sadd.s32 s3, s2  }
0x8d: {  	s2 =	sadd.s32 s2, s17  }
0x8e: {  	[smem:$0x3FBE] =	sst s2  }
0x8f: {  	_ = 	snop  }
0x90: {  	s2 =	sld [smem:$0x3FD0];
	(tm) =	ssettm $0x1  }
0x91: {  	s18 =	sld [smem:$0x3FFB];
	_ =	sdelay $0x3  }
0x92: {  	_ =	strace s18  }
0x93: {  	s3 =	sld [smem:$0x3FFC];
	_ =	sdelay $0x3  }
0x94: {  	_ =	strace s3  }
0x95: {  	s3 =	sld [smem:$0x3FFD];
	_ =	sdelay $0x3  }
0x96: {  	_ =	strace s3  }
0x97: {  	_ =	strace $0x8FFFFFFF  }
0x98: {  	s19 =	sld [smem:$0x3FDB];
	_ =	sdelay $0x1  }
0x99: {  	s4 =	simm.s32 $_scs_section_size  }
0x9a: {  	s5 =	simm.s32 $_size__tile_overlayer_lowered;
	s6 =	simm.s32 $_tile_overlayer_lowered  }
0x9b: {  	s22 =	simm.s32 $0x1BFF;
	s21 =	sshll.u32 s6, $0x1;
	s3 =	sadd.s32 s4, s19  }
0x9c: {  	s7 =	simm.s32 $0x0;
	s20 =	sshll.u32 s5, $0x1;
	s5 =	sadd.s32 s21, s3  }
0x9d: {  	[timem:s7], [sflag:s22] =	dma.local [hbm:s5], s20  }
0x9e: {  	_ =	swait.ge [sflag:s22], s20  }
0x9f: {  	s4 =	ssub.s32 $0x0, s20;
	[sflag:s22] =	ssyncset.done $0x0  }
0xa0: {  	[sflag:s22] =	ssyncadd.s32 s4;
	_ =	sdelay $0x1  }
0xa1: {  	s23 =	simm.s32 $0x1B8B  }
0xa2: {  	_ =	swait.ge [sflag:s23], $0x1  }
0xa3: {  	[sflag:s23] =	ssyncset.done $0x0  }
0xa4: {  	s25 =	simm.s32 $0x1B8E;
	s24 =	sld [smem:$0x3FFE];
	[sflag:s23] =	ssyncadd.s32 $0xFFFFFFFF  }
0xa5: {  	s26 =	simm.s32 $execute0_lowered;
	[smem:$0x3FD2] =	sst s25  }
0xa6: {  	s5 =	sshll.u32 s26, $0x1;
	_ =	strace $0x80000046;
	[dreg:$0x1] =	wrdreg $0xFFFFFFFF  }
0xa7: {  	s28 =	simm.s32 $_size_execute0_lowered;
	s3 =	sadd.s32 s3, s5;
	[dreg:$0x0] =	wrdreg $0x0  }
0xa8: {  	s5 =	sshll.u32 s28, $0x1;
	[dreg:$0x2] =	wrdreg s3  }
0xa9: {  	[dreg:$0x3] =	wrdreg s5  }
0xaa: {  	[dreg:$0x4] =	wrdreg $0xC0  }
0xab: {  	_ =	task [dreg:s7], $0x5FFFF  }
0xac: {  	[dreg:$0x1] =	wrdreg $0xFFFFFFFF  }
0xad: {  	[dreg:$0x0] =	wrdreg $0x60  }
0xae: {  	[dreg:$0x2] =	wrdreg s24  }
0xaf: {  	[dreg:$0x3] =	wrdreg s2  }
0xb0: {  	[dreg:$0x4] =	wrdreg $0xC6200  }
0xb1: {  	[dreg:$0x5] =	wrdreg $0x9  }
0xb2: {  	_ =	task.clear_ibuf [dreg:s7], $0x6FFFF;
	_ =	strace $0x90000046  }
0xb3: {  	s29 =	simm.s32 $0x9;
	_ =	strace $0x80000048  }
0xb4: {  	_ =	swait.ge [sflag:s29], $0x1  }
0xb5: {  	[sflag:s29] =	ssyncadd.s32 $0xFFFFFFFF  }
0xb6: {  	_ =	strace $0x90000048  }
0xb7: {  	_ =	sfence  }
0xb8: {  	s30 =	sld [smem:$0x0];
	_ =	sdelay $0x2  }
0xb9: {  	s31 =	sshll.u32 s1, $0xD;
	s1 =	sshrl.u32 s1, $0x2  }
0xba: {  	s3 =	sand.u32 $0x4000, s31;
	s1 =	sadd.s32 s1, s30  }
0xbb: {  	s0 =	sor.u32 s3, s0;
	s1 =	sshll.u32 s1, $0x11  }
0xbc: {  	s0 =	sor.u32 s1, s0  }
0xbd: {  	s0 =	sadd.s32 $0x8F2B, s0  }
0xbe: {  	[sflag:s0] =	ssyncadd.remote.s32 $0x1  }
0xbf: {  	_ =	sfence.sel $0xFFFF  }
0xc0: {  	[dreg:$0x0] =	wrdreg $0xFFFFFFFF;
	(pc) =	sbr.abs _section_cstart, $3  }
0xc1: {  	[dreg:$0x1] =	wrdreg $0xFFFFFFFF  }
0xc2: {  	_ =	task.clear_ibuf [dreg:s7], $0x2FFFF;
	_ =	strace $0x9FFFFFFF  }
0xc3: {  	(tm) =	ssettm $0x7FFFFFFF  }
tec
execute0_lowered:
.L_overlay_start_1:
0x0: {  	(tag) =	ssettag $0x1  }
0x1: {  	s7 =	rddreg [dreg:$0x0]  }
0x2: {  	s2 =	rddreg [dreg:$0x1]  }
0x3: {  	s0 =	srdreg.scid;
	s3 =	rddreg [dreg:$0x2]  }
0x4: {  	s4 =	simm.s32 $0x0;
	s12 =	simm.s32 $0x2710;
	s13 =	simm.s32 $0x50  }
0x5: {  	s14 =	simm.s32 $0x4E20;
	s15 =	simm.s32 $0x6220;
	s16 =	simm.s32 $0x1  }
0x6: {  	s17 =	simm.s32 $0x7620;
	s18 =	simm.s32 $0x2;
	s19 =	simm.s32 $0x9E20  }
0x7: {  	s20 =	simm.s32 $0x3;
	s21 =	simm.s32 $0x4DD0;
	s22 =	simm.s32 $0x4  }
0x8: {  	s24 =	simm.s32 $0x0;
	s6 =	sand.u32 $0x1, s0;
	s0 =	stileid.u32  }
0x9: {  	[smem:$0x7FF] =	sst s4;
	s5 =	sadd.s32 $0x15000, s7;
	s9 =	smul.u32 $0x27100, s6  }
0xa: {  	s1 =	sshll.u32 s6, $0x4;
	s10 =	smul.u32 $0x3E80, s0;
	s6 =	ssub.s32 $0x2, s6  }
0xb: {  	s30 =	smul.u32 $0x7D000, s0;
	p0 =	sne.s32 s0, $0x0;
	s1 =	sor.u32 s0, s1  }
0xc: {  	p1 =	sgt.u32 s0, $0x9;
	s29 =	sshrl.u32 s6, $0x1;
	s8 =	smul.u32 $0x4E2, s1  }
0xd: {  	s1 =	rddreg [dreg:$0x3];
	_ =	strace $0x80000047;
	s9 =	sadd.s32 s10, s9  }
0xe: {  	s11 =	ssub.s32 s6, s29;
	s31 =	sshrl.u32 s30, $0x2;
	s10 =	sshrl.u32 @!p0 s3, $0x3  }
0xf: {  	s9 =	sadd.s32 s9, s7;
	s23 =	sadd.s32 s31, s3;
	s8 =	sadd.s32 s8, s7  }
0x10: {  	s23 =	sshrl.u32 @!p1 s23, $0x3;
	s6 =	sadd.s32 $0xB200, s8;
	s7 =	sadd.s32 $0x1400, s8  }
0x11: {  	s8 =	sadd.s32 $0x28A00, s9;
	s9 =	smax.u32 s11, $0x1;
	s11 =	simm.s32 $0x5  }
.LBB2_1:
0x12: {  	s25 =	simm.s32 @!p0 $0x1C05  }
0x13: {  	[spmem:s10], [sflag:s25] =	dma.local @!p0 [hbm:s2], $0x27100  }
0x14: {  	s25 =	simm.s32 @!p0 $0x5  }
0x15: {  	_ =	swait.ge @!p0 [sflag:s25], $0x27100  }
0x16: {  	[sflag:s25] =	ssyncset.done @!p0 $0x0  }
0x17: {  	[sflag:s25] =	ssyncadd.s32 @!p0 $0xFFFD8F00  }
0x18: {  	[tilespmem:s4], [sflag:$0x5] =	stream.linear.gather [hbm4b:s6+s4], $0x2710, $0x38;
	[tilespmem:$0x1FEA0] =	vst v63  }
0x19: {  	_ =	swait.ge [sflag:s11], $0x2710  }
0x1a: {  	[sflag:s11] =	ssyncset.done $0x0  }
0x1b: {  	[sflag:s11] =	ssyncadd.s32 $0xFFFFD8F0  }
0x1c: {  	[tilespmem:s12], [sflag:$0x5] =	stream.linear.gather [hbm4b:s7+s4], $0x2710, $0x38;
	[tilespmem:$0x1FEA0] =	vst v63  }
0x1d: {  	_ =	swait.ge [sflag:s11], $0x2710  }
0x1e: {  	[sflag:s11] =	ssyncset.done $0x0  }
0x1f: {  	[sflag:s11] =	ssyncadd.s32 $0xFFFFD8F0  }
0x20: {  	[bflag:$0x0] =	sbarrier.arrive $0xFFFF  }
0x21: {  	[tilespmem:s14], [sflag:$0x1] =	stream.indirect.gather [hbm4b:s5+s13], $0x40, s4, s13, $0xb8;
	[tilespmem:$0x1FEA0] =	vst v63  }
0x22: {  	s25 =	simm.s32 $0x0  }
0x23: {  	[tilespmem:s15], [sflag:$0x2] =	stream.indirect.gather [hbm4b:s5+s13], $0x40, s13, s13, $0xb8;
	[tilespmem:$0x1FEA0] =	vst v63  }
.LBB2_2:
0x24: {  	_ =	swait.ge [sflag:s16], $0x1400  }
0x25: {  	p2 =	seq.s32 s25, $0x0;
	[sflag:s16] =	ssyncset.done $0x0  }
0x26: {  	s26 =	simm.s32 @!p2 $0x3;
	[sflag:s16] =	ssyncadd.s32 $0xFFFFEC00  }
0x27: {  	_ =	swait.ge @!p2 [sflag:s26], $0x2800  }
0x28: {  	[sflag:s26] =	ssyncset.done @!p2 $0x0  }
0x29: {  	s28 =	simm.s32 $0x0;
	[sflag:s26] =	ssyncadd.s32 @!p2 $0xFFFFD800  }
0x2a: {  	v0 =	vld [tilespmem:s28+$0x4E20];
	_ =	sdelay $0x4  }
0x2b: {  	s26 =	simm.s32 $0x7660;
	v1 =	vshll.u32 v0, $0x10  }
0x2c: {  	v0 =	vand.u32 $0xFFFF0000, v0;
	[tilespmem:s26+$0xFFFFFFC0] =	vst v1  }
0x2d: {  	[tilespmem:s26+$0xFFFFFFD0] =	vst v0  }
0x2e: {  	v0 =	vld [tilespmem:s28+$0x4E30];
	_ =	sdelay $0x4  }
0x2f: {  	v1 =	vshll.u32 v0, $0x10  }
0x30: {  	v0 =	vand.u32 $0xFFFF0000, v0;
	[tilespmem:s26+$0xFFFFFFE0] =	vst v1  }
0x31: {  	[tilespmem:s26+$0xFFFFFFF0] =	vst v0  }
0x32: {  	v0 =	vld [tilespmem:s28+$0x4E40];
	_ =	sdelay $0x4  }
0x33: {  	v1 =	vand.u32 $0xFFFF0000, v0  }
0x34: {  	v0 =	vshll.u32 v0, $0x10;
	[tilespmem:s26+$0x10] =	vst v1  }
0x35: {  	[tilespmem:s26+$0x0] =	vst v0  }
0x36: {  	v0 =	vld [tilespmem:s28+$0x4E50];
	_ =	sdelay $0x4  }
0x37: {  	v1 =	vshll.u32 v0, $0x10  }
0x38: {  	v0 =	vand.u32 $0xFFFF0000, v0;
	[tilespmem:s26+$0x20] =	vst v1  }
0x39: {  	s28 =	simm.s32 $0x40;
	[tilespmem:s26+$0x30] =	vst v0  }
0x3a: {  	v0 =	vld [tilespmem:s28+$0x4E20]  }
0x3b: {  	s29 =	simm.s32 $0x200  }
.LBB2_3:
0x3c: {  	p3 =	sne.s32 s29, $0x4F00;
	_ =	sdelay $0x2  }
0x3d: {  	s26 =	sadd.s32 $0x80, s26;
	v1 =	vshll.u32 v0, $0x10  }
0x3e: {  	v0 =	vand.u32 $0xFFFF0000, v0;
	[tilespmem:s26+$0xFFFFFFC0] =	vst v1  }
0x3f: {  	[tilespmem:s26+$0xFFFFFFD0] =	vst v0  }
0x40: {  	v0 =	vld [tilespmem:s28+$0x4E30];
	_ =	sdelay $0x4  }
0x41: {  	v1 =	vshll.u32 v0, $0x10  }
0x42: {  	v0 =	vand.u32 $0xFFFF0000, v0;
	[tilespmem:s26+$0xFFFFFFE0] =	vst v1  }
0x43: {  	[tilespmem:s26+$0xFFFFFFF0] =	vst v0  }
0x44: {  	v0 =	vld [tilespmem:s28+$0x4E40];
	_ =	sdelay $0x4  }
0x45: {  	v1 =	vshll.u32 v0, $0x10;
	v0 =	vand.u32 $0xFFFF0000, v0  }
0x46: {  	[tilespmem:s26+$0x10] =	vst v0  }
0x47: {  	[tilespmem:s26+$0x0] =	vst v1  }
0x48: {  	v0 =	vld [tilespmem:s28+$0x4E50];
	_ =	sdelay $0x4  }
.Ltmp0:
0x49: {  	v1 =	vshll.u32 v0, $0x10;
	v0 =	vand.u32 $0xFFFF0000, v0;
	(pc) =	sbr.rel @p3 .LBB2_3-.Ltmp0, $4  }
0x4a: {  	[tilespmem:s26+$0x20] =	vst v1  }
0x4b: {  	s28 =	sshra.s32 s29, $0x2;
	[tilespmem:s26+$0x30] =	vst v0  }
0x4c: {  	v0 =	vld [tilespmem:s28+$0x4E20]  }
0x4d: {  	s29 =	sadd.s32 $0x100, s29  }
0x4e: {  	_ =	sdelay $0x2  }
0x4f: {  	s29 =	sadd.s32 $0x80, s26;
	v1 =	vshll.u32 v0, $0x10  }
0x50: {  	v0 =	vand.u32 $0xFFFF0000, v0;
	[tilespmem:s29+$0xFFFFFFC0] =	vst v1  }
0x51: {  	[tilespmem:s29+$0xFFFFFFD0] =	vst v0  }
0x52: {  	v0 =	vld [tilespmem:s28+$0x4E30];
	_ =	sdelay $0x4  }
0x53: {  	v1 =	vshll.u32 v0, $0x10  }
0x54: {  	v0 =	vand.u32 $0xFFFF0000, v0;
	[tilespmem:s29+$0xFFFFFFE0] =	vst v1  }
0x55: {  	[tilespmem:s29+$0xFFFFFFF0] =	vst v0  }
0x56: {  	v0 =	vld [tilespmem:s28+$0x4E40];
	_ =	sdelay $0x4  }
0x57: {  	v1 =	vand.u32 $0xFFFF0000, v0  }
0x58: {  	v0 =	vshll.u32 v0, $0x10;
	[tilespmem:s29+$0x10] =	vst v1  }
0x59: {  	[tilespmem:s29+$0x0] =	vst v0  }
0x5a: {  	v0 =	vld [tilespmem:s28+$0x4E50];
	_ =	sdelay $0x3  }
0x5b: {  	s31 =	smul.u32 $0x280, s25  }
0x5c: {  	v1 =	vshll.u32 v0, $0x10  }
0x5d: {  	s26 =	sshra.s32 s31, $0x2;
	v0 =	vand.u32 $0xFFFF0000, v0;
	[tilespmem:s29+$0x20] =	vst v1  }
0x5e: {  	s28 =	sadd.s32 $0x2710, s26;
	[tilespmem:s29+$0x30] =	vst v0  }
0x5f: {  	[spmem:s3] =	stream.indirect.scatter.add.f32 [tilespmem:s17], [sflag:$0x3], $0x80, s28, s13, $0xb8;
	[tilespmem:$0x1FEA0] =	vst v63  }
0x60: {  	s28 =	sadd.s32 $0xA0, s26  }
0x61: {  	[tilespmem:s14], [sflag:$0x1] =	stream.indirect.gather [hbm4b:s5+s13], $0x40, s28, s13, $0xb8;
	[tilespmem:$0x1FEA0] =	vst v63  }
0x62: {  	_ =	swait.ge [sflag:s18], $0x1400  }
0x63: {  	[sflag:s18] =	ssyncset.done $0x0  }
0x64: {  	s28 =	simm.s32 @!p2 $0x4;
	[sflag:s18] =	ssyncadd.s32 $0xFFFFEC00  }
0x65: {  	_ =	swait.ge @!p2 [sflag:s28], $0x2800  }
0x66: {  	[sflag:s28] =	ssyncset.done @!p2 $0x0  }
0x67: {  	s29 =	simm.s32 $0x0;
	[sflag:s28] =	ssyncadd.s32 @!p2 $0xFFFFD800  }
0x68: {  	v0 =	vld [tilespmem:s29+$0x6220];
	_ =	sdelay $0x4  }
0x69: {  	s28 =	simm.s32 $0x9E60;
	v1 =	vshll.u32 v0, $0x10  }
0x6a: {  	v0 =	vand.u32 $0xFFFF0000, v0;
	[tilespmem:s28+$0xFFFFFFC0] =	vst v1  }
0x6b: {  	[tilespmem:s28+$0xFFFFFFD0] =	vst v0  }
0x6c: {  	v0 =	vld [tilespmem:s29+$0x6230];
	_ =	sdelay $0x4  }
0x6d: {  	v1 =	vshll.u32 v0, $0x10  }
0x6e: {  	v0 =	vand.u32 $0xFFFF0000, v0;
	[tilespmem:s28+$0xFFFFFFE0] =	vst v1  }
0x6f: {  	[tilespmem:s28+$0xFFFFFFF0] =	vst v0  }
0x70: {  	v0 =	vld [tilespmem:s29+$0x6240];
	_ =	sdelay $0x4  }
0x71: {  	v1 =	vand.u32 $0xFFFF0000, v0  }
0x72: {  	v0 =	vshll.u32 v0, $0x10;
	[tilespmem:s28+$0x10] =	vst v1  }
0x73: {  	[tilespmem:s28+$0x0] =	vst v0  }
0x74: {  	v0 =	vld [tilespmem:s29+$0x6250];
	_ =	sdelay $0x4  }
0x75: {  	v1 =	vshll.u32 v0, $0x10  }
0x76: {  	v0 =	vand.u32 $0xFFFF0000, v0;
	[tilespmem:s28+$0x20] =	vst v1  }
0x77: {  	s29 =	simm.s32 $0x40;
	[tilespmem:s28+$0x30] =	vst v0  }
0x78: {  	v0 =	vld [tilespmem:s29+$0x6220]  }
0x79: {  	s30 =	simm.s32 $0x200  }
.LBB2_5:
0x7a: {  	p2 =	sne.s32 s30, $0x4F00;
	_ =	sdelay $0x2  }
0x7b: {  	s28 =	sadd.s32 $0x80, s28;
	v1 =	vshll.u32 v0, $0x10  }
0x7c: {  	v0 =	vand.u32 $0xFFFF0000, v0;
	[tilespmem:s28+$0xFFFFFFC0] =	vst v1  }
0x7d: {  	[tilespmem:s28+$0xFFFFFFD0] =	vst v0  }
0x7e: {  	v0 =	vld [tilespmem:s29+$0x6230];
	_ =	sdelay $0x4  }
0x7f: {  	v1 =	vshll.u32 v0, $0x10  }
0x80: {  	v0 =	vand.u32 $0xFFFF0000, v0;
	[tilespmem:s28+$0xFFFFFFE0] =	vst v1  }
0x81: {  	[tilespmem:s28+$0xFFFFFFF0] =	vst v0  }
0x82: {  	v0 =	vld [tilespmem:s29+$0x6240];
	_ =	sdelay $0x4  }
0x83: {  	v1 =	vshll.u32 v0, $0x10;
	v0 =	vand.u32 $0xFFFF0000, v0  }
0x84: {  	[tilespmem:s28+$0x10] =	vst v0  }
0x85: {  	[tilespmem:s28+$0x0] =	vst v1  }
0x86: {  	v0 =	vld [tilespmem:s29+$0x6250];
	_ =	sdelay $0x4  }
.Ltmp1:
0x87: {  	v1 =	vshll.u32 v0, $0x10;
	v0 =	vand.u32 $0xFFFF0000, v0;
	(pc) =	sbr.rel @p2 .LBB2_5-.Ltmp1, $4  }
0x88: {  	[tilespmem:s28+$0x20] =	vst v1  }
0x89: {  	s29 =	sshra.s32 s30, $0x2;
	[tilespmem:s28+$0x30] =	vst v0  }
0x8a: {  	v0 =	vld [tilespmem:s29+$0x6220]  }
0x8b: {  	s30 =	sadd.s32 $0x100, s30  }
0x8c: {  	_ =	sdelay $0x2  }
0x8d: {  	s28 =	sadd.s32 $0x80, s28;
	v1 =	vshll.u32 v0, $0x10  }
0x8e: {  	v60 =	vand.u32 $0xFFFF0000, v0;
	[tilespmem:s28+$0xFFFFFFC0] =	vst v1  }
0x8f: {  	[tilespmem:s28+$0xFFFFFFD0] =	vst v60  }
0x90: {  	v0 =	vld [tilespmem:s29+$0x6230];
	_ =	sdelay $0x4  }
0x91: {  	v61 =	vshll.u32 v0, $0x10  }
0x92: {  	v0 =	vand.u32 $0xFFFF0000, v0;
	[tilespmem:s28+$0xFFFFFFE0] =	vst v61  }
0x93: {  	[tilespmem:s28+$0xFFFFFFF0] =	vst v0  }
0x94: {  	v0 =	vld [tilespmem:s29+$0x6240];
	_ =	sdelay $0x4  }
0x95: {  	v62 =	vand.u32 $0xFFFF0000, v0  }
0x96: {  	v0 =	vshll.u32 v0, $0x10;
	[tilespmem:s28+$0x10] =	vst v62  }
0x97: {  	[tilespmem:s28+$0x0] =	vst v0  }
0x98: {  	v0 =	vld [tilespmem:s29+$0x6250];
	_ =	sdelay $0x2  }
0x99: {  	p2 =	seq.s32 s25, $0x3D  }
.Ltmp2:
0x9a: {  	_ = 	snop;
	(pc) =	sbr.rel @p2 .LBB2_8-.Ltmp2, $4  }
0x9b: {  	v63 =	vshll.u32 v0, $0x10  }
0x9c: {  	v0 =	vand.u32 $0xFFFF0000, v0;
	[tilespmem:s28+$0x20] =	vst v63  }
0x9d: {  	s31 =	sadd.s32 $0x2760, s26;
	[tilespmem:s28+$0x30] =	vst v0  }
0x9e: {  	[spmem:s3] =	stream.indirect.scatter.add.f32 [tilespmem:s19], [sflag:$0x4], $0x80, s31, s13, $0xb8;
	[tilespmem:$0x1FEA0] =	vst v63  }
.Ltmp3:
0x9f: {  	(pc) =	sbr.rel .LBB2_2-.Ltmp3, $3  }
0xa0: {  	_ =	sdelay $0x1  }
0xa1: {  	s26 =	sadd.s32 $0xF0, s26;
	s25 =	sadd.s32 $0x1, s25  }
0xa2: {  	[tilespmem:s15], [sflag:$0x2] =	stream.indirect.gather [hbm4b:s5+s13], $0x40, s26, s13, $0xb8;
	[tilespmem:$0x1FEA0] =	vst v63  }
.LBB2_8:
0xa3: {  	_ =	swait.ge [sflag:s16], $0x1400  }
0xa4: {  	[sflag:s16] =	ssyncset.done $0x0  }
0xa5: {  	[sflag:s16] =	ssyncadd.s32 $0xFFFFEC00  }
0xa6: {  	_ =	swait.ge [sflag:s20], $0x2800  }
0xa7: {  	[sflag:s20] =	ssyncset.done $0x0  }
0xa8: {  	s26 =	simm.s32 $0x0;
	[sflag:s20] =	ssyncadd.s32 $0xFFFFD800  }
0xa9: {  	v0 =	vld [tilespmem:s26+$0x4E20];
	_ =	sdelay $0x4  }
0xaa: {  	s25 =	simm.s32 $0x7660;
	v1 =	vshll.u32 v0, $0x10  }
0xab: {  	v0 =	vand.u32 $0xFFFF0000, v0;
	[tilespmem:s25+$0xFFFFFFC0] =	vst v1  }
0xac: {  	[tilespmem:s25+$0xFFFFFFD0] =	vst v0  }
0xad: {  	v0 =	vld [tilespmem:s26+$0x4E30];
	_ =	sdelay $0x4  }
0xae: {  	v1 =	vshll.u32 v0, $0x10  }
0xaf: {  	v0 =	vand.u32 $0xFFFF0000, v0;
	[tilespmem:s25+$0xFFFFFFE0] =	vst v1  }
0xb0: {  	[tilespmem:s25+$0xFFFFFFF0] =	vst v0  }
0xb1: {  	v0 =	vld [tilespmem:s26+$0x4E40];
	_ =	sdelay $0x4  }
0xb2: {  	v1 =	vand.u32 $0xFFFF0000, v0  }
0xb3: {  	v0 =	vshll.u32 v0, $0x10;
	[tilespmem:s25+$0x10] =	vst v1  }
0xb4: {  	[tilespmem:s25+$0x0] =	vst v0  }
0xb5: {  	v0 =	vld [tilespmem:s26+$0x4E50];
	_ =	sdelay $0x4  }
0xb6: {  	v1 =	vshll.u32 v0, $0x10  }
0xb7: {  	v0 =	vand.u32 $0xFFFF0000, v0;
	[tilespmem:s25+$0x20] =	vst v1  }
0xb8: {  	s26 =	simm.s32 $0x40;
	[tilespmem:s25+$0x30] =	vst v0  }
0xb9: {  	v0 =	vld [tilespmem:s26+$0x4E20]  }
0xba: {  	s28 =	simm.s32 $0x200  }
.LBB2_9:
0xbb: {  	p2 =	sne.s32 s28, $0x4F00;
	_ =	sdelay $0x2  }
0xbc: {  	s25 =	sadd.s32 $0x80, s25;
	v1 =	vshll.u32 v0, $0x10  }
0xbd: {  	v0 =	vand.u32 $0xFFFF0000, v0;
	[tilespmem:s25+$0xFFFFFFC0] =	vst v1  }
0xbe: {  	[tilespmem:s25+$0xFFFFFFD0] =	vst v0  }
0xbf: {  	v0 =	vld [tilespmem:s26+$0x4E30];
	_ =	sdelay $0x4  }
0xc0: {  	v1 =	vshll.u32 v0, $0x10  }
0xc1: {  	v0 =	vand.u32 $0xFFFF0000, v0;
	[tilespmem:s25+$0xFFFFFFE0] =	vst v1  }
0xc2: {  	[tilespmem:s25+$0xFFFFFFF0] =	vst v0  }
0xc3: {  	v0 =	vld [tilespmem:s26+$0x4E40];
	_ =	sdelay $0x4  }
0xc4: {  	v1 =	vshll.u32 v0, $0x10;
	v0 =	vand.u32 $0xFFFF0000, v0  }
0xc5: {  	[tilespmem:s25+$0x10] =	vst v0  }
0xc6: {  	[tilespmem:s25+$0x0] =	vst v1  }
0xc7: {  	v0 =	vld [tilespmem:s26+$0x4E50];
	_ =	sdelay $0x4  }
.Ltmp4:
0xc8: {  	v1 =	vshll.u32 v0, $0x10;
	v0 =	vand.u32 $0xFFFF0000, v0;
	(pc) =	sbr.rel @p2 .LBB2_9-.Ltmp4, $4  }
0xc9: {  	[tilespmem:s25+$0x20] =	vst v1  }
0xca: {  	s26 =	sshra.s32 s28, $0x2;
	[tilespmem:s25+$0x30] =	vst v0  }
0xcb: {  	v0 =	vld [tilespmem:s26+$0x4E20]  }
0xcc: {  	s28 =	sadd.s32 $0x100, s28  }
0xcd: {  	_ =	sdelay $0x2  }
0xce: {  	s25 =	sadd.s32 $0x80, s25;
	v1 =	vshll.u32 v0, $0x10  }
0xcf: {  	v60 =	vand.u32 $0xFFFF0000, v0;
	[tilespmem:s25+$0xFFFFFFC0] =	vst v1  }
0xd0: {  	[tilespmem:s25+$0xFFFFFFD0] =	vst v60  }
0xd1: {  	v0 =	vld [tilespmem:s26+$0x4E30];
	_ =	sdelay $0x4  }
0xd2: {  	v61 =	vshll.u32 v0, $0x10  }
0xd3: {  	v0 =	vand.u32 $0xFFFF0000, v0;
	[tilespmem:s25+$0xFFFFFFE0] =	vst v61  }
0xd4: {  	[tilespmem:s25+$0xFFFFFFF0] =	vst v0  }
0xd5: {  	v0 =	vld [tilespmem:s26+$0x4E40];
	_ =	sdelay $0x4  }
0xd6: {  	v62 =	vand.u32 $0xFFFF0000, v0  }
0xd7: {  	v0 =	vshll.u32 v0, $0x10;
	[tilespmem:s25+$0x10] =	vst v62  }
0xd8: {  	[tilespmem:s25+$0x0] =	vst v0  }
0xd9: {  	v0 =	vld [tilespmem:s26+$0x4E50];
	_ =	sdelay $0x4  }
0xda: {  	v63 =	vshll.u32 v0, $0x10  }
0xdb: {  	v0 =	vand.u32 $0xFFFF0000, v0;
	[tilespmem:s25+$0x20] =	vst v63  }
0xdc: {  	[tilespmem:s25+$0x30] =	vst v0  }
0xdd: {  	[spmem:s3] =	stream.indirect.scatter.add.f32 [tilespmem:s17], [sflag:$0x3], $0x80, s21, s13, $0xb8;
	[tilespmem:$0x1FEA0] =	vst v63  }
0xde: {  	_ =	swait.ge [sflag:s20], $0x2800  }
0xdf: {  	[sflag:s20] =	ssyncset.done $0x0  }
0xe0: {  	[sflag:s20] =	ssyncadd.s32 $0xFFFFD800  }
0xe1: {  	_ =	swait.ge [sflag:s22], $0x2800  }
0xe2: {  	[sflag:s22] =	ssyncset.done $0x0  }
0xe3: {  	s24 =	sadd.s32 $0x1, s24;
	s25 =	sshll.u32 @!p1 s0, $0x6;
	[sflag:s22] =	ssyncadd.s32 $0xFFFFD800  }
0xe4: {  	p2 =	sne.s32 s24, s9;
	s25 =	sor.u32 @!p1 $0x1C05, s25;
	[bflag:$0x0] =	sbarrier.arrive $0xFFFF  }
0xe5: {  	[hbm:s8], [sflag:s25] =	dma.local @!p1 [spmem:s23], $0x3E80  }
.Ltmp5:
0xe6: {  	_ = 	snop;
	(pc) =	sbr.rel @p2 .LBB2_1-.Ltmp5, $4  }
0xe7: {  	s25 =	simm.s32 @!p1 $0x5  }
0xe8: {  	_ =	swait.ge @!p1 [sflag:s25], $0x3E80  }
0xe9: {  	[sflag:s25] =	ssyncset.done @!p1 $0x0  }
0xea: {  	[sflag:s25] =	ssyncadd.s32 @!p1 $0xFFFFC180  }
0xeb: {  	_ =	sfence.sel $0x180000  }
0xec: {  	[bflag:$0x0] =	sbarrier.arrive $0xFFFF  }
0xed: {  	_ =	strace $0x90000047  }
0xee: {  	s0 =	sadd.s32 @!p0 $0x100000, s1;
	[bflag:$0x2] =	sbarrier.arrive $0xFFFF  }
0xef: {  	[sflag:s0] =	ssyncadd.tile.s32 @!p0 $0x1;
	_ =	shalt  }
.Lfunc_end2:
_tile_overlayer_lowered:
.L_overlay_start_2:
0xf0: {  	(tag) =	ssettag $0x2  }
0xf1: {  	s0 =	rddreg [dreg:$0x0];
	s2 =	stileid.u32  }
0xf2: {  	s1 =	rddreg [dreg:$0x1];
	p0 =	sne.s32 s2, $0x0  }
0xf3: {  	s3 =	rddreg [dreg:$0x2];
	[bflag:$0x3] =	sbarrier.arrive $0xFFFF;
	s2 =	simm.s32 @!p0 $0x1C05  }
0xf4: {  	[timem:s3], [sflag:s2] =	dma.local @!p0 [hbm:s0], s1  }
0xf5: {  	s0 =	simm.s32 @!p0 $0x5  }
0xf6: {  	_ =	swait.ge @!p0 [sflag:s0], s1  }
0xf7: {  	s1 =	ssub.s32 @!p0 $0x0, s1;
	[sflag:s0] =	ssyncset.done @!p0 $0x0  }
0xf8: {  	[sflag:s0] =	ssyncadd.s32 @!p0 s1  }
0xf9: {  	[bflag:$0x3] =	sbarrier.arrive $0xFFFF  }
0xfa: {  	_ =	shalt  }

</sc_bundles>
